<compile_context>
chip_gen: v7x
topology: tpu7x:2x2x1
jax: 0.10.2.dev20260603
libtpu: 0.0.44.dev20260713+nightly
codegen_flags: <defaults>
</compile_context>

<pallas_src>
import functools

import jax
import jax.numpy as jnp
from jax import lax
from jax.experimental import pallas as pl
from jax.experimental.pallas import tpu as pltpu
from jax.experimental.pallas import tpu_sc as plsc


@functools.lru_cache(maxsize=None)
def _make_plane_gather(vocab: int, dim: int, hist: int, batch: int,
                       num_workers: int):
    passes = dim // num_workers
    mesh = plsc.VectorSubcoreMesh(core_axis_name="c", subcore_axis_name="s")
    nc = mesh.num_cores

    @functools.partial(
        pl.kernel,
        out_type=jax.ShapeDtypeStruct((hist, dim, batch), jnp.float32),
        mesh=mesh,
        scratch_types=[
            pltpu.VMEM((vocab,), jnp.float32),
            pltpu.VMEM((2, batch), jnp.int32),
            pltpu.VMEM((2, batch), jnp.float32),
            pltpu.SemaphoreType.DMA,
            pltpu.SemaphoreType.DMA,
            pltpu.SemaphoreType.DMA,
        ],
        compiler_params=pltpu.CompilerParams(
            use_tc_tiling_on_sc=False, needs_layout_passes=False
        ),
    )
    def plane_kernel(table_t, idx_t, out_hbm, plane_v, idxc_v, gout_v,
                     isem, osem0, osem1):
        wid = lax.axis_index("s") * nc + lax.axis_index("c")
        osems = (osem0, osem1)

        def out_drain(b):
            pltpu.make_async_copy(
                gout_v.at[b], out_hbm.at[0, 0], osems[b]
            ).wait()

        for p in range(passes):
            d = wid + num_workers * p
            pltpu.sync_copy(table_t.at[d], plane_v)
            pltpu.async_copy(idx_t.at[0], idxc_v.at[0], isem)

            @pl.loop(0, hist, step=2)
            def _cols(g):
                for b in range(2):
                    l = g + b
                    pltpu.make_async_copy(
                        idx_t.at[0], idxc_v.at[b], isem
                    ).wait()

                    @pl.when(l + 1 < hist)
                    def _():
                        pltpu.async_copy(
                            idx_t.at[l + 1], idxc_v.at[1 - b], isem
                        )

                    if p == 0:
                        @pl.when(l >= 2)
                        def _():
                            out_drain(b)
                    else:
                        out_drain(b)
                    idx_col = idxc_v.at[b]
                    out_col = gout_v.at[b]

                    @plsc.parallel_loop(0, batch, step=16, unroll=8)
                    def _gather16(j):
                        iv = idx_col[pl.ds(j, 16)]
                        out_col[pl.ds(j, 16)] = plsc.load_gather(
                            plane_v, [iv]
                        )

                    pltpu.async_copy(
                        out_col, out_hbm.at[l, d], osems[b]
                    )

        for b in range(2):
            out_drain(b)

    return plane_kernel


def kernel(indices, table):
    batch, hist = indices.shape
    vocab, dim = table.shape
    info = plsc.get_sparse_core_info()
    nw = info.num_cores * info.num_subcores
    table_t = table.T
    idx_t = indices.T
    out = _make_plane_gather(vocab, dim, hist, batch, nw)(table_t, idx_t)
    return jnp.transpose(out, (2, 0, 1))

# --- scband reference (transcript-rebuilt; emitter-appended) ---
"""Pipeline reference for scband-lstm-66786741453331 (READ-ONLY COPY).

The authoritative reference and input builder live on the scoring server;
editing this copy changes nothing except your own understanding.
"""

import jax, jax.numpy as jnp
import numpy as np

VOCAB = 100000
EMBED_DIM = 64
BATCH = 4096
HIST_LEN = 50


def setup_inputs(seed: int = 0) -> dict:
    key = jax.random.key(seed)
    k1, k2 = jax.random.split(key)
    # Learned parameter: embedding table sized per init (embeddings.shape = [vocab, embed_dim])
    table = jax.random.normal(k1, (VOCAB, EMBED_DIM), dtype=jnp.float32)
    indices = jax.random.randint(k2, (BATCH, HIST_LEN), 0, VOCAB, dtype=jnp.int32)
    return {"indices": indices, "table": table}


def reference(indices, table):
    # Faithful embedding lookup: nn.Embedding(vocab, dim)(indices) == table[indices]
    # (the torch module's forward is a stub; the canonical operation of this
    #  embedding_lookup module is a row gather from the table)
    out = jnp.take(table, indices, axis=0)  # [B, L, D]
    return out

if __name__ == "__main__":
    import jax
    _d = setup_inputs()
    print(jax.jit(kernel)(*tuple(_d.values())))

</pallas_src>

<mosaic_0001>
#map = affine_map<(d0, d1) -> (0, 0)>
#map1 = affine_map<(d0, d1) -> (0, 0, 0)>
module attributes {stable_mosaic.version = 14 : i64} {
  func.func @plane_kernel(%arg0: i32, %arg1: i32, %arg2: memref<64x100000xf32, #tpu.memory_space<hbm>>, %arg3: memref<50x4096xi32, #tpu.memory_space<hbm>>, %arg4: memref<50x64x4096xf32, #tpu.memory_space<hbm>>, %arg5: memref<100000xf32, #tpu.memory_space<vmem>>, %arg6: memref<2x4096xi32, #tpu.memory_space<vmem>>, %arg7: memref<2x4096xf32, #tpu.memory_space<vmem>>, %arg8: memref<!tpu.dma_semaphore, #tpu.memory_space<semaphore_mem>>, %arg9: memref<!tpu.dma_semaphore, #tpu.memory_space<semaphore_mem>>, %arg10: memref<!tpu.dma_semaphore, #tpu.memory_space<semaphore_mem>>) attributes {dimension_semantics = [#tpu.dimension_semantics<core_parallel>, #tpu.dimension_semantics<subcore_parallel>], iteration_bounds = array<i64: 2, 16>, scalar_prefetch = 0 : i64, scratch_operands = 6 : i64, tpu.core_type = #tpu.core_type<sc_vector_subcore>, window_params = [{transform_indices = #map}, {transform_indices = #map}, {transform_indices = #map1}]} {
    %mul3A = arith.constant 2 : i32
    %mul3A_0 = arith.muli %arg1, %mul3A : i32
    %add3A = arith.addi %mul3A_0, %arg0 : i32
    %add3A_1 = arith.constant 0 : i32
    %add3A_2 = arith.addi %add3A, %add3A_1 : i32
    "tpu.region"() ({
      %run_scoped3A = tpu.sem_alloc : memref<!tpu.dma_semaphore, #tpu.memory_space<semaphore_mem>>
      %dma_start3A_70 = arith.constant 0 : i32
      %dma_start3A_71 = tpu.memref_slice %arg2[%add3A_2, %dma_start3A_70] : memref<64x100000xf32, #tpu.memory_space<hbm>> -> memref<1x100000xf32, #tpu.memory_space<hbm>>
      %dma_start3A_72 = tpu.memref_squeeze %dma_start3A_71 : memref<1x100000xf32, #tpu.memory_space<hbm>> -> memref<100000xf32, #tpu.memory_space<hbm>>
      %dma_start3A_73 = arith.constant 0 : i32
      %dma_start3A_74 = tpu.memref_slice %arg2[%add3A_2, %dma_start3A_73] : memref<64x100000xf32, #tpu.memory_space<hbm>> -> memref<1x100000xf32, #tpu.memory_space<hbm>>
      %dma_start3A_75 = tpu.memref_squeeze %dma_start3A_74 : memref<1x100000xf32, #tpu.memory_space<hbm>> -> memref<100000xf32, #tpu.memory_space<hbm>>
      tpu.enqueue_dma source(%dma_start3A_75 : memref<100000xf32, #tpu.memory_space<hbm>>) target(%arg5 : memref<100000xf32, #tpu.memory_space<vmem>>) target_semaphore(%run_scoped3A : memref<!tpu.dma_semaphore, #tpu.memory_space<semaphore_mem>>)
      %dma_wait3A_76 = arith.constant 0 : i32
      %dma_wait3A_77 = tpu.memref_slice %arg2[%add3A_2, %dma_wait3A_76] : memref<64x100000xf32, #tpu.memory_space<hbm>> -> memref<1x100000xf32, #tpu.memory_space<hbm>>
      %dma_wait3A_78 = tpu.memref_squeeze %dma_wait3A_77 : memref<1x100000xf32, #tpu.memory_space<hbm>> -> memref<100000xf32, #tpu.memory_space<hbm>>
      %dma_wait3A_79 = arith.constant 0 : i32
      %dma_wait3A_80 = tpu.memref_slice %arg2[%add3A_2, %dma_wait3A_79] : memref<64x100000xf32, #tpu.memory_space<hbm>> -> memref<1x100000xf32, #tpu.memory_space<hbm>>
      %dma_wait3A_81 = tpu.memref_squeeze %dma_wait3A_80 : memref<1x100000xf32, #tpu.memory_space<hbm>> -> memref<100000xf32, #tpu.memory_space<hbm>>
      tpu.wait_dma2 semaphore(%run_scoped3A : memref<!tpu.dma_semaphore, #tpu.memory_space<semaphore_mem>>) src(%dma_wait3A_81 : memref<100000xf32, #tpu.memory_space<hbm>>) dst(%arg5 : memref<100000xf32, #tpu.memory_space<vmem>>)
      tpu.yield
    }) : () -> ()
    %dma_start3A = arith.constant 0 : i32
    %dma_start3A_3 = arith.constant 0 : i32
    %dma_start3A_4 = arith.constant 0 : i32
    %dma_start3A_5 = tpu.memref_slice %arg6[%dma_start3A_3, %dma_start3A_4] : memref<2x4096xi32, #tpu.memory_space<vmem>> -> memref<1x4096xi32, #tpu.memory_space<vmem>>
    %dma_start3A_6 = tpu.memref_squeeze %dma_start3A_5 : memref<1x4096xi32, #tpu.memory_space<vmem>> -> memref<4096xi32, #tpu.memory_space<vmem>>
    %dma_start3A_7 = arith.constant 0 : i32
    %dma_start3A_8 = tpu.memref_slice %arg3[%dma_start3A, %dma_start3A_7] : memref<50x4096xi32, #tpu.memory_space<hbm>> -> memref<1x4096xi32, #tpu.memory_space<hbm>>
    %dma_start3A_9 = tpu.memref_squeeze %dma_start3A_8 : memref<1x4096xi32, #tpu.memory_space<hbm>> -> memref<4096xi32, #tpu.memory_space<hbm>>
    %dma_start3A_10 = arith.constant 0 : i32
    %dma_start3A_11 = tpu.memref_slice %arg6[%dma_start3A_3, %dma_start3A_10] : memref<2x4096xi32, #tpu.memory_space<vmem>> -> memref<1x4096xi32, #tpu.memory_space<vmem>>
    %dma_start3A_12 = tpu.memref_squeeze %dma_start3A_11 : memref<1x4096xi32, #tpu.memory_space<vmem>> -> memref<4096xi32, #tpu.memory_space<vmem>>
    %dma_start3A_13 = arith.constant 0 : i32
    %dma_start3A_14 = tpu.memref_slice %arg3[%dma_start3A, %dma_start3A_13] : memref<50x4096xi32, #tpu.memory_space<hbm>> -> memref<1x4096xi32, #tpu.memory_space<hbm>>
    %dma_start3A_15 = tpu.memref_squeeze %dma_start3A_14 : memref<1x4096xi32, #tpu.memory_space<hbm>> -> memref<4096xi32, #tpu.memory_space<hbm>>
    tpu.enqueue_dma source(%dma_start3A_15 : memref<4096xi32, #tpu.memory_space<hbm>>) target(%dma_start3A_12 : memref<4096xi32, #tpu.memory_space<vmem>>) target_semaphore(%arg8 : memref<!tpu.dma_semaphore, #tpu.memory_space<semaphore_mem>>)
    %scan3A = arith.constant 0 : i32
    %scan3A_16 = arith.constant 25 : i32
    %scan3A_17 = arith.addi %scan3A, %scan3A_16 : i32
    %scan3A_18 = arith.constant 1 : i32
    scf.for %scan3A_70 = %scan3A to %scan3A_17 step %scan3A_18  : i32 {
      %mul3A_71 = arith.constant 2 : i32
      %mul3A_72 = arith.muli %scan3A_70, %mul3A_71 : i32
      %add3A_73 = arith.constant 0 : i32
      %add3A_74 = arith.addi %add3A_73, %mul3A_72 : i32
      %add3A_75 = arith.constant 0 : i32
      %add3A_76 = arith.addi %add3A_74, %add3A_75 : i32
      %dma_wait3A_77 = arith.constant 0 : i32
      %dma_wait3A_78 = arith.constant 0 : i32
      %dma_wait3A_79 = arith.constant 0 : i32
      %dma_wait3A_80 = tpu.memref_slice %arg6[%dma_wait3A_78, %dma_wait3A_79] : memref<2x4096xi32, #tpu.memory_space<vmem>> -> memref<1x4096xi32, #tpu.memory_space<vmem>>
      %dma_wait3A_81 = tpu.memref_squeeze %dma_wait3A_80 : memref<1x4096xi32, #tpu.memory_space<vmem>> -> memref<4096xi32, #tpu.memory_space<vmem>>
      %dma_wait3A_82 = arith.constant 0 : i32
      %dma_wait3A_83 = tpu.memref_slice %arg3[%dma_wait3A_77, %dma_wait3A_82] : memref<50x4096xi32, #tpu.memory_space<hbm>> -> memref<1x4096xi32, #tpu.memory_space<hbm>>
      %dma_wait3A_84 = tpu.memref_squeeze %dma_wait3A_83 : memref<1x4096xi32, #tpu.memory_space<hbm>> -> memref<4096xi32, #tpu.memory_space<hbm>>
      %dma_wait3A_85 = arith.constant 0 : i32
      %dma_wait3A_86 = tpu.memref_slice %arg6[%dma_wait3A_78, %dma_wait3A_85] : memref<2x4096xi32, #tpu.memory_space<vmem>> -> memref<1x4096xi32, #tpu.memory_space<vmem>>
      %dma_wait3A_87 = tpu.memref_squeeze %dma_wait3A_86 : memref<1x4096xi32, #tpu.memory_space<vmem>> -> memref<4096xi32, #tpu.memory_space<vmem>>
      %dma_wait3A_88 = arith.constant 0 : i32
      %dma_wait3A_89 = tpu.memref_slice %arg3[%dma_wait3A_77, %dma_wait3A_88] : memref<50x4096xi32, #tpu.memory_space<hbm>> -> memref<1x4096xi32, #tpu.memory_space<hbm>>
      %dma_wait3A_90 = tpu.memref_squeeze %dma_wait3A_89 : memref<1x4096xi32, #tpu.memory_space<hbm>> -> memref<4096xi32, #tpu.memory_space<hbm>>
      tpu.wait_dma2 semaphore(%arg8 : memref<!tpu.dma_semaphore, #tpu.memory_space<semaphore_mem>>) src(%dma_wait3A_90 : memref<4096xi32, #tpu.memory_space<hbm>>) dst(%dma_wait3A_87 : memref<4096xi32, #tpu.memory_space<vmem>>)
      %add3A_91 = arith.constant 1 : i32
      %add3A_92 = arith.addi %add3A_76, %add3A_91 : i32
      %lt3A = arith.constant 50 : i32
      %lt3A_93 = arith.cmpi slt, %add3A_92, %lt3A : i32
      %convert_element_type3A = arith.extui %lt3A_93 : i1 to i32
      %cond3A = arith.constant 0 : i32
      %cond3A_94 = arith.cmpi ne, %convert_element_type3A, %cond3A : i32
      scf.if %cond3A_94 {
        %add3A_162 = arith.constant 1 : i32
        %add3A_163 = arith.addi %add3A_76, %add3A_162 : i32
        %dma_start3A_164 = arith.constant 1 : i32
        %dma_start3A_165 = arith.constant 0 : i32
        %dma_start3A_166 = tpu.memref_slice %arg6[%dma_start3A_164, %dma_start3A_165] : memref<2x4096xi32, #tpu.memory_space<vmem>> -> memref<1x4096xi32, #tpu.memory_space<vmem>>
        %dma_start3A_167 = tpu.memref_squeeze %dma_start3A_166 : memref<1x4096xi32, #tpu.memory_space<vmem>> -> memref<4096xi32, #tpu.memory_space<vmem>>
        %dma_start3A_168 = arith.constant 0 : i32
        %dma_start3A_169 = tpu.memref_slice %arg3[%add3A_163, %dma_start3A_168] : memref<50x4096xi32, #tpu.memory_space<hbm>> -> memref<1x4096xi32, #tpu.memory_space<hbm>>
        %dma_start3A_170 = tpu.memref_squeeze %dma_start3A_169 : memref<1x4096xi32, #tpu.memory_space<hbm>> -> memref<4096xi32, #tpu.memory_space<hbm>>
        %dma_start3A_171 = arith.constant 0 : i32
        %dma_start3A_172 = tpu.memref_slice %arg6[%dma_start3A_164, %dma_start3A_171] : memref<2x4096xi32, #tpu.memory_space<vmem>> -> memref<1x4096xi32, #tpu.memory_space<vmem>>
        %dma_start3A_173 = tpu.memref_squeeze %dma_start3A_172 : memref<1x4096xi32, #tpu.memory_space<vmem>> -> memref<4096xi32, #tpu.memory_space<vmem>>
        %dma_start3A_174 = arith.constant 0 : i32
        %dma_start3A_175 = tpu.memref_slice %arg3[%add3A_163, %dma_start3A_174] : memref<50x4096xi32, #tpu.memory_space<hbm>> -> memref<1x4096xi32, #tpu.memory_space<hbm>>
        %dma_start3A_176 = tpu.memref_squeeze %dma_start3A_175 : memref<1x4096xi32, #tpu.memory_space<hbm>> -> memref<4096xi32, #tpu.memory_space<hbm>>
        tpu.enqueue_dma source(%dma_start3A_176 : memref<4096xi32, #tpu.memory_space<hbm>>) target(%dma_start3A_173 : memref<4096xi32, #tpu.memory_space<vmem>>) target_semaphore(%arg8 : memref<!tpu.dma_semaphore, #tpu.memory_space<semaphore_mem>>)
      } else {
      }
      %ge3A = arith.constant 2 : i32
      %ge3A_95 = arith.cmpi sge, %add3A_76, %ge3A : i32
      %convert_element_type3A_96 = arith.extui %ge3A_95 : i1 to i32
      %cond3A_97 = arith.constant 0 : i32
      %cond3A_98 = arith.cmpi ne, %convert_element_type3A_96, %cond3A_97 : i32
      scf.if %cond3A_98 {
        %dma_wait3A_162 = arith.constant 0 : i32
        %dma_wait3A_163 = arith.constant 0 : i32
        %dma_wait3A_164 = arith.constant 0 : i32
        %dma_wait3A_165 = arith.constant 0 : i32
        %dma_wait3A_166 = tpu.memref_slice %arg7[%dma_wait3A_162, %dma_wait3A_165] : memref<2x4096xf32, #tpu.memory_space<vmem>> -> memref<1x4096xf32, #tpu.memory_space<vmem>>
        %dma_wait3A_167 = tpu.memref_squeeze %dma_wait3A_166 : memref<1x4096xf32, #tpu.memory_space<vmem>> -> memref<4096xf32, #tpu.memory_space<vmem>>
        %dma_wait3A_168 = arith.constant 0 : i32
        %dma_wait3A_169 = tpu.memref_slice %arg4[%dma_wait3A_163, %dma_wait3A_164, %dma_wait3A_168] : memref<50x64x4096xf32, #tpu.memory_space<hbm>> -> memref<1x1x4096xf32, #tpu.memory_space<hbm>>
        %dma_wait3A_170 = tpu.memref_squeeze %dma_wait3A_169 : memref<1x1x4096xf32, #tpu.memory_space<hbm>> -> memref<4096xf32, #tpu.memory_space<hbm>>
        %dma_wait3A_171 = arith.constant 0 : i32
        %dma_wait3A_172 = tpu.memref_slice %arg4[%dma_wait3A_163, %dma_wait3A_164, %dma_wait3A_171] : memref<50x64x4096xf32, #tpu.memory_space<hbm>> -> memref<1x1x4096xf32, #tpu.memory_space<hbm>>
        %dma_wait3A_173 = tpu.memref_squeeze %dma_wait3A_172 : memref<1x1x4096xf32, #tpu.memory_space<hbm>> -> memref<4096xf32, #tpu.memory_space<hbm>>
        %dma_wait3A_174 = arith.constant 0 : i32
        %dma_wait3A_175 = tpu.memref_slice %arg7[%dma_wait3A_162, %dma_wait3A_174] : memref<2x4096xf32, #tpu.memory_space<vmem>> -> memref<1x4096xf32, #tpu.memory_space<vmem>>
        %dma_wait3A_176 = tpu.memref_squeeze %dma_wait3A_175 : memref<1x4096xf32, #tpu.memory_space<vmem>> -> memref<4096xf32, #tpu.memory_space<vmem>>
        tpu.wait_dma2 semaphore(%arg9 : memref<!tpu.dma_semaphore, #tpu.memory_space<semaphore_mem>>) src(%dma_wait3A_176 : memref<4096xf32, #tpu.memory_space<vmem>>) dst(%dma_wait3A_173 : memref<4096xf32, #tpu.memory_space<hbm>>)
      } else {
      }
      %parallel_loop3A = arith.constant 0 : i32
      %parallel_loop3A_99 = arith.constant 4096 : i32
      %parallel_loop3A_100 = arith.constant 16 : i32
      %parallel_loop3A_101 = arith.constant 0 : i32
      %parallel_loop3A_102 = arith.constant 0 : i32
      scf.for %parallel_loop3A_162 = %parallel_loop3A to %parallel_loop3A_99 step %parallel_loop3A_100  : i32 {
        %parallel_loop3A_163 = arith.constant 0 : i32
        %parallel_loop3A_164 = tpu.memref_slice %arg6[%parallel_loop3A_101, %parallel_loop3A_163] : memref<2x4096xi32, #tpu.memory_space<vmem>> -> memref<1x4096xi32, #tpu.memory_space<vmem>>
        %parallel_loop3A_165 = tpu.memref_squeeze %parallel_loop3A_164 : memref<1x4096xi32, #tpu.memory_space<vmem>> -> memref<4096xi32, #tpu.memory_space<vmem>>
        %parallel_loop3A_166 = arith.index_cast %parallel_loop3A_162 : i32 to index
        %parallel_loop3A_167 = tpu.vector_load %parallel_loop3A_165[%parallel_loop3A_166] {strides = array<i32>} : memref<4096xi32, #tpu.memory_space<vmem>>, vector<16xi32>,
        %parallel_loop3A_168 = tpu.vector_load_idx %arg5[%parallel_loop3A_167] : memref<100000xf32, #tpu.memory_space<vmem>>[vector<16xi32>], vector<16xf32>,
        %parallel_loop3A_169 = arith.constant 0 : i32
        %parallel_loop3A_170 = tpu.memref_slice %arg7[%parallel_loop3A_102, %parallel_loop3A_169] : memref<2x4096xf32, #tpu.memory_space<vmem>> -> memref<1x4096xf32, #tpu.memory_space<vmem>>
        %parallel_loop3A_171 = tpu.memref_squeeze %parallel_loop3A_170 : memref<1x4096xf32, #tpu.memory_space<vmem>> -> memref<4096xf32, #tpu.memory_space<vmem>>
        %parallel_loop3A_172 = arith.index_cast %parallel_loop3A_162 : i32 to index
        %parallel_loop3A_173 = tpu.vector_load %parallel_loop3A_171[%parallel_loop3A_172] {strides = array<i32>} : memref<4096xf32, #tpu.memory_space<vmem>>, vector<16xf32>,
        tpu.vector_store %parallel_loop3A_171[%parallel_loop3A_172], %parallel_loop3A_168 {strides = array<i32>} : memref<4096xf32, #tpu.memory_space<vmem>>, vector<16xf32>,
      } {sc.loop_unroll_factor = 8 : i64, sc.parallel_access}
      %dma_start3A_103 = arith.constant 0 : i32
      %dma_start3A_104 = arith.constant 0 : i32
      %dma_start3A_105 = tpu.memref_slice %arg7[%dma_start3A_103, %dma_start3A_104] : memref<2x4096xf32, #tpu.memory_space<vmem>> -> memref<1x4096xf32, #tpu.memory_space<vmem>>
      %dma_start3A_106 = tpu.memref_squeeze %dma_start3A_105 : memref<1x4096xf32, #tpu.memory_space<vmem>> -> memref<4096xf32, #tpu.memory_space<vmem>>
      %dma_start3A_107 = arith.constant 0 : i32
      %dma_start3A_108 = tpu.memref_slice %arg4[%add3A_76, %add3A_2, %dma_start3A_107] : memref<50x64x4096xf32, #tpu.memory_space<hbm>> -> memref<1x1x4096xf32, #tpu.memory_space<hbm>>
      %dma_start3A_109 = tpu.memref_squeeze %dma_start3A_108 : memref<1x1x4096xf32, #tpu.memory_space<hbm>> -> memref<4096xf32, #tpu.memory_space<hbm>>
      %dma_start3A_110 = arith.constant 0 : i32
      %dma_start3A_111 = tpu.memref_slice %arg4[%add3A_76, %add3A_2, %dma_start3A_110] : memref<50x64x4096xf32, #tpu.memory_space<hbm>> -> memref<1x1x4096xf32, #tpu.memory_space<hbm>>
      %dma_start3A_112 = tpu.memref_squeeze %dma_start3A_111 : memref<1x1x4096xf32, #tpu.memory_space<hbm>> -> memref<4096xf32, #tpu.memory_space<hbm>>
      %dma_start3A_113 = arith.constant 0 : i32
      %dma_start3A_114 = tpu.memref_slice %arg7[%dma_start3A_103, %dma_start3A_113] : memref<2x4096xf32, #tpu.memory_space<vmem>> -> memref<1x4096xf32, #tpu.memory_space<vmem>>
      %dma_start3A_115 = tpu.memref_squeeze %dma_start3A_114 : memref<1x4096xf32, #tpu.memory_space<vmem>> -> memref<4096xf32, #tpu.memory_space<vmem>>
      tpu.enqueue_dma source(%dma_start3A_115 : memref<4096xf32, #tpu.memory_space<vmem>>) target(%dma_start3A_112 : memref<4096xf32, #tpu.memory_space<hbm>>) target_semaphore(%arg9 : memref<!tpu.dma_semaphore, #tpu.memory_space<semaphore_mem>>)
      %add3A_116 = arith.constant 1 : i32
      %add3A_117 = arith.addi %add3A_74, %add3A_116 : i32
      %dma_wait3A_118 = arith.constant 0 : i32
      %dma_wait3A_119 = arith.constant 1 : i32
      %dma_wait3A_120 = arith.constant 0 : i32
      %dma_wait3A_121 = tpu.memref_slice %arg6[%dma_wait3A_119, %dma_wait3A_120] : memref<2x4096xi32, #tpu.memory_space<vmem>> -> memref<1x4096xi32, #tpu.memory_space<vmem>>
      %dma_wait3A_122 = tpu.memref_squeeze %dma_wait3A_121 : memref<1x4096xi32, #tpu.memory_space<vmem>> -> memref<4096xi32, #tpu.memory_space<vmem>>
      %dma_wait3A_123 = arith.constant 0 : i32
      %dma_wait3A_124 = tpu.memref_slice %arg3[%dma_wait3A_118, %dma_wait3A_123] : memref<50x4096xi32, #tpu.memory_space<hbm>> -> memref<1x4096xi32, #tpu.memory_space<hbm>>
      %dma_wait3A_125 = tpu.memref_squeeze %dma_wait3A_124 : memref<1x4096xi32, #tpu.memory_space<hbm>> -> memref<4096xi32, #tpu.memory_space<hbm>>
      %dma_wait3A_126 = arith.constant 0 : i32
      %dma_wait3A_127 = tpu.memref_slice %arg6[%dma_wait3A_119, %dma_wait3A_126] : memref<2x4096xi32, #tpu.memory_space<vmem>> -> memref<1x4096xi32, #tpu.memory_space<vmem>>
      %dma_wait3A_128 = tpu.memref_squeeze %dma_wait3A_127 : memref<1x4096xi32, #tpu.memory_space<vmem>> -> memref<4096xi32, #tpu.memory_space<vmem>>
      %dma_wait3A_129 = arith.constant 0 : i32
      %dma_wait3A_130 = tpu.memref_slice %arg3[%dma_wait3A_118, %dma_wait3A_129] : memref<50x4096xi32, #tpu.memory_space<hbm>> -> memref<1x4096xi32, #tpu.memory_space<hbm>>
      %dma_wait3A_131 = tpu.memref_squeeze %dma_wait3A_130 : memref<1x4096xi32, #tpu.memory_space<hbm>> -> memref<4096xi32, #tpu.memory_space<hbm>>
      tpu.wait_dma2 semaphore(%arg8 : memref<!tpu.dma_semaphore, #tpu.memory_space<semaphore_mem>>) src(%dma_wait3A_131 : memref<4096xi32, #tpu.memory_space<hbm>>) dst(%dma_wait3A_128 : memref<4096xi32, #tpu.memory_space<vmem>>)
      %add3A_132 = arith.constant 1 : i32
      %add3A_133 = arith.addi %add3A_117, %add3A_132 : i32
      %lt3A_134 = arith.constant 50 : i32
      %lt3A_135 = arith.cmpi slt, %add3A_133, %lt3A_134 : i32
      %convert_element_type3A_136 = arith.extui %lt3A_135 : i1 to i32
      %cond3A_137 = arith.constant 0 : i32
      %cond3A_138 = arith.cmpi ne, %convert_element_type3A_136, %cond3A_137 : i32
      scf.if %cond3A_138 {
        %add3A_162 = arith.constant 1 : i32
        %add3A_163 = arith.addi %add3A_117, %add3A_162 : i32
        %dma_start3A_164 = arith.constant 0 : i32
        %dma_start3A_165 = arith.constant 0 : i32
        %dma_start3A_166 = tpu.memref_slice %arg6[%dma_start3A_164, %dma_start3A_165] : memref<2x4096xi32, #tpu.memory_space<vmem>> -> memref<1x4096xi32, #tpu.memory_space<vmem>>
        %dma_start3A_167 = tpu.memref_squeeze %dma_start3A_166 : memref<1x4096xi32, #tpu.memory_space<vmem>> -> memref<4096xi32, #tpu.memory_space<vmem>>
        %dma_start3A_168 = arith.constant 0 : i32
        %dma_start3A_169 = tpu.memref_slice %arg3[%add3A_163, %dma_start3A_168] : memref<50x4096xi32, #tpu.memory_space<hbm>> -> memref<1x4096xi32, #tpu.memory_space<hbm>>
        %dma_start3A_170 = tpu.memref_squeeze %dma_start3A_169 : memref<1x4096xi32, #tpu.memory_space<hbm>> -> memref<4096xi32, #tpu.memory_space<hbm>>
        %dma_start3A_171 = arith.constant 0 : i32
        %dma_start3A_172 = tpu.memref_slice %arg6[%dma_start3A_164, %dma_start3A_171] : memref<2x4096xi32, #tpu.memory_space<vmem>> -> memref<1x4096xi32, #tpu.memory_space<vmem>>
        %dma_start3A_173 = tpu.memref_squeeze %dma_start3A_172 : memref<1x4096xi32, #tpu.memory_space<vmem>> -> memref<4096xi32, #tpu.memory_space<vmem>>
        %dma_start3A_174 = arith.constant 0 : i32
        %dma_start3A_175 = tpu.memref_slice %arg3[%add3A_163, %dma_start3A_174] : memref<50x4096xi32, #tpu.memory_space<hbm>> -> memref<1x4096xi32, #tpu.memory_space<hbm>>
        %dma_start3A_176 = tpu.memref_squeeze %dma_start3A_175 : memref<1x4096xi32, #tpu.memory_space<hbm>> -> memref<4096xi32, #tpu.memory_space<hbm>>
        tpu.enqueue_dma source(%dma_start3A_176 : memref<4096xi32, #tpu.memory_space<hbm>>) target(%dma_start3A_173 : memref<4096xi32, #tpu.memory_space<vmem>>) target_semaphore(%arg8 : memref<!tpu.dma_semaphore, #tpu.memory_space<semaphore_mem>>)
      } else {
      }
      %ge3A_139 = arith.constant 2 : i32
      %ge3A_140 = arith.cmpi sge, %add3A_117, %ge3A_139 : i32
      %convert_element_type3A_141 = arith.extui %ge3A_140 : i1 to i32
      %cond3A_142 = arith.constant 0 : i32
      %cond3A_143 = arith.cmpi ne, %convert_element_type3A_141, %cond3A_142 : i32
      scf.if %cond3A_143 {
        %dma_wait3A_162 = arith.constant 1 : i32
        %dma_wait3A_163 = arith.constant 0 : i32
        %dma_wait3A_164 = arith.constant 0 : i32
        %dma_wait3A_165 = arith.constant 0 : i32
        %dma_wait3A_166 = tpu.memref_slice %arg7[%dma_wait3A_162, %dma_wait3A_165] : memref<2x4096xf32, #tpu.memory_space<vmem>> -> memref<1x4096xf32, #tpu.memory_space<vmem>>
        %dma_wait3A_167 = tpu.memref_squeeze %dma_wait3A_166 : memref<1x4096xf32, #tpu.memory_space<vmem>> -> memref<4096xf32, #tpu.memory_space<vmem>>
        %dma_wait3A_168 = arith.constant 0 : i32
        %dma_wait3A_169 = tpu.memref_slice %arg4[%dma_wait3A_163, %dma_wait3A_164, %dma_wait3A_168] : memref<50x64x4096xf32, #tpu.memory_space<hbm>> -> memref<1x1x4096xf32, #tpu.memory_space<hbm>>
        %dma_wait3A_170 = tpu.memref_squeeze %dma_wait3A_169 : memref<1x1x4096xf32, #tpu.memory_space<hbm>> -> memref<4096xf32, #tpu.memory_space<hbm>>
        %dma_wait3A_171 = arith.constant 0 : i32
        %dma_wait3A_172 = tpu.memref_slice %arg4[%dma_wait3A_163, %dma_wait3A_164, %dma_wait3A_171] : memref<50x64x4096xf32, #tpu.memory_space<hbm>> -> memref<1x1x4096xf32, #tpu.memory_space<hbm>>
        %dma_wait3A_173 = tpu.memref_squeeze %dma_wait3A_172 : memref<1x1x4096xf32, #tpu.memory_space<hbm>> -> memref<4096xf32, #tpu.memory_space<hbm>>
        %dma_wait3A_174 = arith.constant 0 : i32
        %dma_wait3A_175 = tpu.memref_slice %arg7[%dma_wait3A_162, %dma_wait3A_174] : memref<2x4096xf32, #tpu.memory_space<vmem>> -> memref<1x4096xf32, #tpu.memory_space<vmem>>
        %dma_wait3A_176 = tpu.memref_squeeze %dma_wait3A_175 : memref<1x4096xf32, #tpu.memory_space<vmem>> -> memref<4096xf32, #tpu.memory_space<vmem>>
        tpu.wait_dma2 semaphore(%arg10 : memref<!tpu.dma_semaphore, #tpu.memory_space<semaphore_mem>>) src(%dma_wait3A_176 : memref<4096xf32, #tpu.memory_space<vmem>>) dst(%dma_wait3A_173 : memref<4096xf32, #tpu.memory_space<hbm>>)
      } else {
      }
      %parallel_loop3A_144 = arith.constant 0 : i32
      %parallel_loop3A_145 = arith.constant 4096 : i32
      %parallel_loop3A_146 = arith.constant 16 : i32
      %parallel_loop3A_147 = arith.constant 1 : i32
      %parallel_loop3A_148 = arith.constant 1 : i32
      scf.for %parallel_loop3A_162 = %parallel_loop3A_144 to %parallel_loop3A_145 step %parallel_loop3A_146  : i32 {
        %parallel_loop3A_163 = arith.constant 0 : i32
        %parallel_loop3A_164 = tpu.memref_slice %arg6[%parallel_loop3A_147, %parallel_loop3A_163] : memref<2x4096xi32, #tpu.memory_space<vmem>> -> memref<1x4096xi32, #tpu.memory_space<vmem>>
        %parallel_loop3A_165 = tpu.memref_squeeze %parallel_loop3A_164 : memref<1x4096xi32, #tpu.memory_space<vmem>> -> memref<4096xi32, #tpu.memory_space<vmem>>
        %parallel_loop3A_166 = arith.index_cast %parallel_loop3A_162 : i32 to index
        %parallel_loop3A_167 = tpu.vector_load %parallel_loop3A_165[%parallel_loop3A_166] {strides = array<i32>} : memref<4096xi32, #tpu.memory_space<vmem>>, vector<16xi32>,
        %parallel_loop3A_168 = tpu.vector_load_idx %arg5[%parallel_loop3A_167] : memref<100000xf32, #tpu.memory_space<vmem>>[vector<16xi32>], vector<16xf32>,
        %parallel_loop3A_169 = arith.constant 0 : i32
        %parallel_loop3A_170 = tpu.memref_slice %arg7[%parallel_loop3A_148, %parallel_loop3A_169] : memref<2x4096xf32, #tpu.memory_space<vmem>> -> memref<1x4096xf32, #tpu.memory_space<vmem>>
        %parallel_loop3A_171 = tpu.memref_squeeze %parallel_loop3A_170 : memref<1x4096xf32, #tpu.memory_space<vmem>> -> memref<4096xf32, #tpu.memory_space<vmem>>
        %parallel_loop3A_172 = arith.index_cast %parallel_loop3A_162 : i32 to index
        %parallel_loop3A_173 = tpu.vector_load %parallel_loop3A_171[%parallel_loop3A_172] {strides = array<i32>} : memref<4096xf32, #tpu.memory_space<vmem>>, vector<16xf32>,
        tpu.vector_store %parallel_loop3A_171[%parallel_loop3A_172], %parallel_loop3A_168 {strides = array<i32>} : memref<4096xf32, #tpu.memory_space<vmem>>, vector<16xf32>,
      } {sc.loop_unroll_factor = 8 : i64, sc.parallel_access}
      %dma_start3A_149 = arith.constant 1 : i32
      %dma_start3A_150 = arith.constant 0 : i32
      %dma_start3A_151 = tpu.memref_slice %arg7[%dma_start3A_149, %dma_start3A_150] : memref<2x4096xf32, #tpu.memory_space<vmem>> -> memref<1x4096xf32, #tpu.memory_space<vmem>>
      %dma_start3A_152 = tpu.memref_squeeze %dma_start3A_151 : memref<1x4096xf32, #tpu.memory_space<vmem>> -> memref<4096xf32, #tpu.memory_space<vmem>>
      %dma_start3A_153 = arith.constant 0 : i32
      %dma_start3A_154 = tpu.memref_slice %arg4[%add3A_117, %add3A_2, %dma_start3A_153] : memref<50x64x4096xf32, #tpu.memory_space<hbm>> -> memref<1x1x4096xf32, #tpu.memory_space<hbm>>
      %dma_start3A_155 = tpu.memref_squeeze %dma_start3A_154 : memref<1x1x4096xf32, #tpu.memory_space<hbm>> -> memref<4096xf32, #tpu.memory_space<hbm>>
      %dma_start3A_156 = arith.constant 0 : i32
      %dma_start3A_157 = tpu.memref_slice %arg4[%add3A_117, %add3A_2, %dma_start3A_156] : memref<50x64x4096xf32, #tpu.memory_space<hbm>> -> memref<1x1x4096xf32, #tpu.memory_space<hbm>>
      %dma_start3A_158 = tpu.memref_squeeze %dma_start3A_157 : memref<1x1x4096xf32, #tpu.memory_space<hbm>> -> memref<4096xf32, #tpu.memory_space<hbm>>
      %dma_start3A_159 = arith.constant 0 : i32
      %dma_start3A_160 = tpu.memref_slice %arg7[%dma_start3A_149, %dma_start3A_159] : memref<2x4096xf32, #tpu.memory_space<vmem>> -> memref<1x4096xf32, #tpu.memory_space<vmem>>
      %dma_start3A_161 = tpu.memref_squeeze %dma_start3A_160 : memref<1x4096xf32, #tpu.memory_space<vmem>> -> memref<4096xf32, #tpu.memory_space<vmem>>
      tpu.enqueue_dma source(%dma_start3A_161 : memref<4096xf32, #tpu.memory_space<vmem>>) target(%dma_start3A_158 : memref<4096xf32, #tpu.memory_space<hbm>>) target_semaphore(%arg10 : memref<!tpu.dma_semaphore, #tpu.memory_space<semaphore_mem>>)
    }
    %scan3A_19 = arith.constant 25 : i32
    %add3A_20 = arith.constant 32 : i32
    %add3A_21 = arith.addi %add3A, %add3A_20 : i32
    "tpu.region"() ({
      %run_scoped3A = tpu.sem_alloc : memref<!tpu.dma_semaphore, #tpu.memory_space<semaphore_mem>>
      %dma_start3A_70 = arith.constant 0 : i32
      %dma_start3A_71 = tpu.memref_slice %arg2[%add3A_21, %dma_start3A_70] : memref<64x100000xf32, #tpu.memory_space<hbm>> -> memref<1x100000xf32, #tpu.memory_space<hbm>>
      %dma_start3A_72 = tpu.memref_squeeze %dma_start3A_71 : memref<1x100000xf32, #tpu.memory_space<hbm>> -> memref<100000xf32, #tpu.memory_space<hbm>>
      %dma_start3A_73 = arith.constant 0 : i32
      %dma_start3A_74 = tpu.memref_slice %arg2[%add3A_21, %dma_start3A_73] : memref<64x100000xf32, #tpu.memory_space<hbm>> -> memref<1x100000xf32, #tpu.memory_space<hbm>>
      %dma_start3A_75 = tpu.memref_squeeze %dma_start3A_74 : memref<1x100000xf32, #tpu.memory_space<hbm>> -> memref<100000xf32, #tpu.memory_space<hbm>>
      tpu.enqueue_dma source(%dma_start3A_75 : memref<100000xf32, #tpu.memory_space<hbm>>) target(%arg5 : memref<100000xf32, #tpu.memory_space<vmem>>) target_semaphore(%run_scoped3A : memref<!tpu.dma_semaphore, #tpu.memory_space<semaphore_mem>>)
      %dma_wait3A_76 = arith.constant 0 : i32
      %dma_wait3A_77 = tpu.memref_slice %arg2[%add3A_21, %dma_wait3A_76] : memref<64x100000xf32, #tpu.memory_space<hbm>> -> memref<1x100000xf32, #tpu.memory_space<hbm>>
      %dma_wait3A_78 = tpu.memref_squeeze %dma_wait3A_77 : memref<1x100000xf32, #tpu.memory_space<hbm>> -> memref<100000xf32, #tpu.memory_space<hbm>>
      %dma_wait3A_79 = arith.constant 0 : i32
      %dma_wait3A_80 = tpu.memref_slice %arg2[%add3A_21, %dma_wait3A_79] : memref<64x100000xf32, #tpu.memory_space<hbm>> -> memref<1x100000xf32, #tpu.memory_space<hbm>>
      %dma_wait3A_81 = tpu.memref_squeeze %dma_wait3A_80 : memref<1x100000xf32, #tpu.memory_space<hbm>> -> memref<100000xf32, #tpu.memory_space<hbm>>
      tpu.wait_dma2 semaphore(%run_scoped3A : memref<!tpu.dma_semaphore, #tpu.memory_space<semaphore_mem>>) src(%dma_wait3A_81 : memref<100000xf32, #tpu.memory_space<hbm>>) dst(%arg5 : memref<100000xf32, #tpu.memory_space<vmem>>)
      tpu.yield
    }) : () -> ()
    %dma_start3A_22 = arith.constant 0 : i32
    %dma_start3A_23 = arith.constant 0 : i32
    %dma_start3A_24 = arith.constant 0 : i32
    %dma_start3A_25 = tpu.memref_slice %arg6[%dma_start3A_23, %dma_start3A_24] : memref<2x4096xi32, #tpu.memory_space<vmem>> -> memref<1x4096xi32, #tpu.memory_space<vmem>>
    %dma_start3A_26 = tpu.memref_squeeze %dma_start3A_25 : memref<1x4096xi32, #tpu.memory_space<vmem>> -> memref<4096xi32, #tpu.memory_space<vmem>>
    %dma_start3A_27 = arith.constant 0 : i32
    %dma_start3A_28 = tpu.memref_slice %arg3[%dma_start3A_22, %dma_start3A_27] : memref<50x4096xi32, #tpu.memory_space<hbm>> -> memref<1x4096xi32, #tpu.memory_space<hbm>>
    %dma_start3A_29 = tpu.memref_squeeze %dma_start3A_28 : memref<1x4096xi32, #tpu.memory_space<hbm>> -> memref<4096xi32, #tpu.memory_space<hbm>>
    %dma_start3A_30 = arith.constant 0 : i32
    %dma_start3A_31 = tpu.memref_slice %arg6[%dma_start3A_23, %dma_start3A_30] : memref<2x4096xi32, #tpu.memory_space<vmem>> -> memref<1x4096xi32, #tpu.memory_space<vmem>>
    %dma_start3A_32 = tpu.memref_squeeze %dma_start3A_31 : memref<1x4096xi32, #tpu.memory_space<vmem>> -> memref<4096xi32, #tpu.memory_space<vmem>>
    %dma_start3A_33 = arith.constant 0 : i32
    %dma_start3A_34 = tpu.memref_slice %arg3[%dma_start3A_22, %dma_start3A_33] : memref<50x4096xi32, #tpu.memory_space<hbm>> -> memref<1x4096xi32, #tpu.memory_space<hbm>>
    %dma_start3A_35 = tpu.memref_squeeze %dma_start3A_34 : memref<1x4096xi32, #tpu.memory_space<hbm>> -> memref<4096xi32, #tpu.memory_space<hbm>>
    tpu.enqueue_dma source(%dma_start3A_35 : memref<4096xi32, #tpu.memory_space<hbm>>) target(%dma_start3A_32 : memref<4096xi32, #tpu.memory_space<vmem>>) target_semaphore(%arg8 : memref<!tpu.dma_semaphore, #tpu.memory_space<semaphore_mem>>)
    %scan3A_36 = arith.constant 0 : i32
    %scan3A_37 = arith.constant 25 : i32
    %scan3A_38 = arith.addi %scan3A_36, %scan3A_37 : i32
    %scan3A_39 = arith.constant 1 : i32
    scf.for %scan3A_70 = %scan3A_36 to %scan3A_38 step %scan3A_39  : i32 {
      %mul3A_71 = arith.constant 2 : i32
      %mul3A_72 = arith.muli %scan3A_70, %mul3A_71 : i32
      %add3A_73 = arith.constant 0 : i32
      %add3A_74 = arith.addi %add3A_73, %mul3A_72 : i32
      %add3A_75 = arith.constant 0 : i32
      %add3A_76 = arith.addi %add3A_74, %add3A_75 : i32
      %dma_wait3A_77 = arith.constant 0 : i32
      %dma_wait3A_78 = arith.constant 0 : i32
      %dma_wait3A_79 = arith.constant 0 : i32
      %dma_wait3A_80 = tpu.memref_slice %arg6[%dma_wait3A_78, %dma_wait3A_79] : memref<2x4096xi32, #tpu.memory_space<vmem>> -> memref<1x4096xi32, #tpu.memory_space<vmem>>
      %dma_wait3A_81 = tpu.memref_squeeze %dma_wait3A_80 : memref<1x4096xi32, #tpu.memory_space<vmem>> -> memref<4096xi32, #tpu.memory_space<vmem>>
      %dma_wait3A_82 = arith.constant 0 : i32
      %dma_wait3A_83 = tpu.memref_slice %arg3[%dma_wait3A_77, %dma_wait3A_82] : memref<50x4096xi32, #tpu.memory_space<hbm>> -> memref<1x4096xi32, #tpu.memory_space<hbm>>
      %dma_wait3A_84 = tpu.memref_squeeze %dma_wait3A_83 : memref<1x4096xi32, #tpu.memory_space<hbm>> -> memref<4096xi32, #tpu.memory_space<hbm>>
      %dma_wait3A_85 = arith.constant 0 : i32
      %dma_wait3A_86 = tpu.memref_slice %arg6[%dma_wait3A_78, %dma_wait3A_85] : memref<2x4096xi32, #tpu.memory_space<vmem>> -> memref<1x4096xi32, #tpu.memory_space<vmem>>
      %dma_wait3A_87 = tpu.memref_squeeze %dma_wait3A_86 : memref<1x4096xi32, #tpu.memory_space<vmem>> -> memref<4096xi32, #tpu.memory_space<vmem>>
      %dma_wait3A_88 = arith.constant 0 : i32
      %dma_wait3A_89 = tpu.memref_slice %arg3[%dma_wait3A_77, %dma_wait3A_88] : memref<50x4096xi32, #tpu.memory_space<hbm>> -> memref<1x4096xi32, #tpu.memory_space<hbm>>
      %dma_wait3A_90 = tpu.memref_squeeze %dma_wait3A_89 : memref<1x4096xi32, #tpu.memory_space<hbm>> -> memref<4096xi32, #tpu.memory_space<hbm>>
      tpu.wait_dma2 semaphore(%arg8 : memref<!tpu.dma_semaphore, #tpu.memory_space<semaphore_mem>>) src(%dma_wait3A_90 : memref<4096xi32, #tpu.memory_space<hbm>>) dst(%dma_wait3A_87 : memref<4096xi32, #tpu.memory_space<vmem>>)
      %add3A_91 = arith.constant 1 : i32
      %add3A_92 = arith.addi %add3A_76, %add3A_91 : i32
      %lt3A = arith.constant 50 : i32
      %lt3A_93 = arith.cmpi slt, %add3A_92, %lt3A : i32
      %convert_element_type3A = arith.extui %lt3A_93 : i1 to i32
      %cond3A = arith.constant 0 : i32
      %cond3A_94 = arith.cmpi ne, %convert_element_type3A, %cond3A : i32
      scf.if %cond3A_94 {
        %add3A_183 = arith.constant 1 : i32
        %add3A_184 = arith.addi %add3A_76, %add3A_183 : i32
        %dma_start3A_185 = arith.constant 1 : i32
        %dma_start3A_186 = arith.constant 0 : i32
        %dma_start3A_187 = tpu.memref_slice %arg6[%dma_start3A_185, %dma_start3A_186] : memref<2x4096xi32, #tpu.memory_space<vmem>> -> memref<1x4096xi32, #tpu.memory_space<vmem>>
        %dma_start3A_188 = tpu.memref_squeeze %dma_start3A_187 : memref<1x4096xi32, #tpu.memory_space<vmem>> -> memref<4096xi32, #tpu.memory_space<vmem>>
        %dma_start3A_189 = arith.constant 0 : i32
        %dma_start3A_190 = tpu.memref_slice %arg3[%add3A_184, %dma_start3A_189] : memref<50x4096xi32, #tpu.memory_space<hbm>> -> memref<1x4096xi32, #tpu.memory_space<hbm>>
        %dma_start3A_191 = tpu.memref_squeeze %dma_start3A_190 : memref<1x4096xi32, #tpu.memory_space<hbm>> -> memref<4096xi32, #tpu.memory_space<hbm>>
        %dma_start3A_192 = arith.constant 0 : i32
        %dma_start3A_193 = tpu.memref_slice %arg6[%dma_start3A_185, %dma_start3A_192] : memref<2x4096xi32, #tpu.memory_space<vmem>> -> memref<1x4096xi32, #tpu.memory_space<vmem>>
        %dma_start3A_194 = tpu.memref_squeeze %dma_start3A_193 : memref<1x4096xi32, #tpu.memory_space<vmem>> -> memref<4096xi32, #tpu.memory_space<vmem>>
        %dma_start3A_195 = arith.constant 0 : i32
        %dma_start3A_196 = tpu.memref_slice %arg3[%add3A_184, %dma_start3A_195] : memref<50x4096xi32, #tpu.memory_space<hbm>> -> memref<1x4096xi32, #tpu.memory_space<hbm>>
        %dma_start3A_197 = tpu.memref_squeeze %dma_start3A_196 : memref<1x4096xi32, #tpu.memory_space<hbm>> -> memref<4096xi32, #tpu.memory_space<hbm>>
        tpu.enqueue_dma source(%dma_start3A_197 : memref<4096xi32, #tpu.memory_space<hbm>>) target(%dma_start3A_194 : memref<4096xi32, #tpu.memory_space<vmem>>) target_semaphore(%arg8 : memref<!tpu.dma_semaphore, #tpu.memory_space<semaphore_mem>>)
      } else {
      }
      %dma_wait3A_95 = arith.constant 0 : i32
      %dma_wait3A_96 = arith.constant 0 : i32
      %dma_wait3A_97 = arith.constant 0 : i32
      %dma_wait3A_98 = arith.constant 0 : i32
      %dma_wait3A_99 = tpu.memref_slice %arg7[%dma_wait3A_95, %dma_wait3A_98] : memref<2x4096xf32, #tpu.memory_space<vmem>> -> memref<1x4096xf32, #tpu.memory_space<vmem>>
      %dma_wait3A_100 = tpu.memref_squeeze %dma_wait3A_99 : memref<1x4096xf32, #tpu.memory_space<vmem>> -> memref<4096xf32, #tpu.memory_space<vmem>>
      %dma_wait3A_101 = arith.constant 0 : i32
      %dma_wait3A_102 = tpu.memref_slice %arg4[%dma_wait3A_96, %dma_wait3A_97, %dma_wait3A_101] : memref<50x64x4096xf32, #tpu.memory_space<hbm>> -> memref<1x1x4096xf32, #tpu.memory_space<hbm>>
      %dma_wait3A_103 = tpu.memref_squeeze %dma_wait3A_102 : memref<1x1x4096xf32, #tpu.memory_space<hbm>> -> memref<4096xf32, #tpu.memory_space<hbm>>
      %dma_wait3A_104 = arith.constant 0 : i32
      %dma_wait3A_105 = tpu.memref_slice %arg4[%dma_wait3A_96, %dma_wait3A_97, %dma_wait3A_104] : memref<50x64x4096xf32, #tpu.memory_space<hbm>> -> memref<1x1x4096xf32, #tpu.memory_space<hbm>>
      %dma_wait3A_106 = tpu.memref_squeeze %dma_wait3A_105 : memref<1x1x4096xf32, #tpu.memory_space<hbm>> -> memref<4096xf32, #tpu.memory_space<hbm>>
      %dma_wait3A_107 = arith.constant 0 : i32
      %dma_wait3A_108 = tpu.memref_slice %arg7[%dma_wait3A_95, %dma_wait3A_107] : memref<2x4096xf32, #tpu.memory_space<vmem>> -> memref<1x4096xf32, #tpu.memory_space<vmem>>
      %dma_wait3A_109 = tpu.memref_squeeze %dma_wait3A_108 : memref<1x4096xf32, #tpu.memory_space<vmem>> -> memref<4096xf32, #tpu.memory_space<vmem>>
      tpu.wait_dma2 semaphore(%arg9 : memref<!tpu.dma_semaphore, #tpu.memory_space<semaphore_mem>>) src(%dma_wait3A_109 : memref<4096xf32, #tpu.memory_space<vmem>>) dst(%dma_wait3A_106 : memref<4096xf32, #tpu.memory_space<hbm>>)
      %parallel_loop3A = arith.constant 0 : i32
      %parallel_loop3A_110 = arith.constant 4096 : i32
      %parallel_loop3A_111 = arith.constant 16 : i32
      %parallel_loop3A_112 = arith.constant 0 : i32
      %parallel_loop3A_113 = arith.constant 0 : i32
      scf.for %parallel_loop3A_183 = %parallel_loop3A to %parallel_loop3A_110 step %parallel_loop3A_111  : i32 {
        %parallel_loop3A_184 = arith.constant 0 : i32
        %parallel_loop3A_185 = tpu.memref_slice %arg6[%parallel_loop3A_112, %parallel_loop3A_184] : memref<2x4096xi32, #tpu.memory_space<vmem>> -> memref<1x4096xi32, #tpu.memory_space<vmem>>
        %parallel_loop3A_186 = tpu.memref_squeeze %parallel_loop3A_185 : memref<1x4096xi32, #tpu.memory_space<vmem>> -> memref<4096xi32, #tpu.memory_space<vmem>>
        %parallel_loop3A_187 = arith.index_cast %parallel_loop3A_183 : i32 to index
        %parallel_loop3A_188 = tpu.vector_load %parallel_loop3A_186[%parallel_loop3A_187] {strides = array<i32>} : memref<4096xi32, #tpu.memory_space<vmem>>, vector<16xi32>,
        %parallel_loop3A_189 = tpu.vector_load_idx %arg5[%parallel_loop3A_188] : memref<100000xf32, #tpu.memory_space<vmem>>[vector<16xi32>], vector<16xf32>,
        %parallel_loop3A_190 = arith.constant 0 : i32
        %parallel_loop3A_191 = tpu.memref_slice %arg7[%parallel_loop3A_113, %parallel_loop3A_190] : memref<2x4096xf32, #tpu.memory_space<vmem>> -> memref<1x4096xf32, #tpu.memory_space<vmem>>
        %parallel_loop3A_192 = tpu.memref_squeeze %parallel_loop3A_191 : memref<1x4096xf32, #tpu.memory_space<vmem>> -> memref<4096xf32, #tpu.memory_space<vmem>>
        %parallel_loop3A_193 = arith.index_cast %parallel_loop3A_183 : i32 to index
        %parallel_loop3A_194 = tpu.vector_load %parallel_loop3A_192[%parallel_loop3A_193] {strides = array<i32>} : memref<4096xf32, #tpu.memory_space<vmem>>, vector<16xf32>,
        tpu.vector_store %parallel_loop3A_192[%parallel_loop3A_193], %parallel_loop3A_189 {strides = array<i32>} : memref<4096xf32, #tpu.memory_space<vmem>>, vector<16xf32>,
      } {sc.loop_unroll_factor = 8 : i64, sc.parallel_access}
      %dma_start3A_114 = arith.constant 0 : i32
      %dma_start3A_115 = arith.constant 0 : i32
      %dma_start3A_116 = tpu.memref_slice %arg7[%dma_start3A_114, %dma_start3A_115] : memref<2x4096xf32, #tpu.memory_space<vmem>> -> memref<1x4096xf32, #tpu.memory_space<vmem>>
      %dma_start3A_117 = tpu.memref_squeeze %dma_start3A_116 : memref<1x4096xf32, #tpu.memory_space<vmem>> -> memref<4096xf32, #tpu.memory_space<vmem>>
      %dma_start3A_118 = arith.constant 0 : i32
      %dma_start3A_119 = tpu.memref_slice %arg4[%add3A_76, %add3A_21, %dma_start3A_118] : memref<50x64x4096xf32, #tpu.memory_space<hbm>> -> memref<1x1x4096xf32, #tpu.memory_space<hbm>>
      %dma_start3A_120 = tpu.memref_squeeze %dma_start3A_119 : memref<1x1x4096xf32, #tpu.memory_space<hbm>> -> memref<4096xf32, #tpu.memory_space<hbm>>
      %dma_start3A_121 = arith.constant 0 : i32
      %dma_start3A_122 = tpu.memref_slice %arg4[%add3A_76, %add3A_21, %dma_start3A_121] : memref<50x64x4096xf32, #tpu.memory_space<hbm>> -> memref<1x1x4096xf32, #tpu.memory_space<hbm>>
      %dma_start3A_123 = tpu.memref_squeeze %dma_start3A_122 : memref<1x1x4096xf32, #tpu.memory_space<hbm>> -> memref<4096xf32, #tpu.memory_space<hbm>>
      %dma_start3A_124 = arith.constant 0 : i32
      %dma_start3A_125 = tpu.memref_slice %arg7[%dma_start3A_114, %dma_start3A_124] : memref<2x4096xf32, #tpu.memory_space<vmem>> -> memref<1x4096xf32, #tpu.memory_space<vmem>>
      %dma_start3A_126 = tpu.memref_squeeze %dma_start3A_125 : memref<1x4096xf32, #tpu.memory_space<vmem>> -> memref<4096xf32, #tpu.memory_space<vmem>>
      tpu.enqueue_dma source(%dma_start3A_126 : memref<4096xf32, #tpu.memory_space<vmem>>) target(%dma_start3A_123 : memref<4096xf32, #tpu.memory_space<hbm>>) target_semaphore(%arg9 : memref<!tpu.dma_semaphore, #tpu.memory_space<semaphore_mem>>)
      %add3A_127 = arith.constant 1 : i32
      %add3A_128 = arith.addi %add3A_74, %add3A_127 : i32
      %dma_wait3A_129 = arith.constant 0 : i32
      %dma_wait3A_130 = arith.constant 1 : i32
      %dma_wait3A_131 = arith.constant 0 : i32
      %dma_wait3A_132 = tpu.memref_slice %arg6[%dma_wait3A_130, %dma_wait3A_131] : memref<2x4096xi32, #tpu.memory_space<vmem>> -> memref<1x4096xi32, #tpu.memory_space<vmem>>
      %dma_wait3A_133 = tpu.memref_squeeze %dma_wait3A_132 : memref<1x4096xi32, #tpu.memory_space<vmem>> -> memref<4096xi32, #tpu.memory_space<vmem>>
      %dma_wait3A_134 = arith.constant 0 : i32
      %dma_wait3A_135 = tpu.memref_slice %arg3[%dma_wait3A_129, %dma_wait3A_134] : memref<50x4096xi32, #tpu.memory_space<hbm>> -> memref<1x4096xi32, #tpu.memory_space<hbm>>
      %dma_wait3A_136 = tpu.memref_squeeze %dma_wait3A_135 : memref<1x4096xi32, #tpu.memory_space<hbm>> -> memref<4096xi32, #tpu.memory_space<hbm>>
      %dma_wait3A_137 = arith.constant 0 : i32
      %dma_wait3A_138 = tpu.memref_slice %arg6[%dma_wait3A_130, %dma_wait3A_137] : memref<2x4096xi32, #tpu.memory_space<vmem>> -> memref<1x4096xi32, #tpu.memory_space<vmem>>
      %dma_wait3A_139 = tpu.memref_squeeze %dma_wait3A_138 : memref<1x4096xi32, #tpu.memory_space<vmem>> -> memref<4096xi32, #tpu.memory_space<vmem>>
      %dma_wait3A_140 = arith.constant 0 : i32
      %dma_wait3A_141 = tpu.memref_slice %arg3[%dma_wait3A_129, %dma_wait3A_140] : memref<50x4096xi32, #tpu.memory_space<hbm>> -> memref<1x4096xi32, #tpu.memory_space<hbm>>
      %dma_wait3A_142 = tpu.memref_squeeze %dma_wait3A_141 : memref<1x4096xi32, #tpu.memory_space<hbm>> -> memref<4096xi32, #tpu.memory_space<hbm>>
      tpu.wait_dma2 semaphore(%arg8 : memref<!tpu.dma_semaphore, #tpu.memory_space<semaphore_mem>>) src(%dma_wait3A_142 : memref<4096xi32, #tpu.memory_space<hbm>>) dst(%dma_wait3A_139 : memref<4096xi32, #tpu.memory_space<vmem>>)
      %add3A_143 = arith.constant 1 : i32
      %add3A_144 = arith.addi %add3A_128, %add3A_143 : i32
      %lt3A_145 = arith.constant 50 : i32
      %lt3A_146 = arith.cmpi slt, %add3A_144, %lt3A_145 : i32
      %convert_element_type3A_147 = arith.extui %lt3A_146 : i1 to i32
      %cond3A_148 = arith.constant 0 : i32
      %cond3A_149 = arith.cmpi ne, %convert_element_type3A_147, %cond3A_148 : i32
      scf.if %cond3A_149 {
        %add3A_183 = arith.constant 1 : i32
        %add3A_184 = arith.addi %add3A_128, %add3A_183 : i32
        %dma_start3A_185 = arith.constant 0 : i32
        %dma_start3A_186 = arith.constant 0 : i32
        %dma_start3A_187 = tpu.memref_slice %arg6[%dma_start3A_185, %dma_start3A_186] : memref<2x4096xi32, #tpu.memory_space<vmem>> -> memref<1x4096xi32, #tpu.memory_space<vmem>>
        %dma_start3A_188 = tpu.memref_squeeze %dma_start3A_187 : memref<1x4096xi32, #tpu.memory_space<vmem>> -> memref<4096xi32, #tpu.memory_space<vmem>>
        %dma_start3A_189 = arith.constant 0 : i32
        %dma_start3A_190 = tpu.memref_slice %arg3[%add3A_184, %dma_start3A_189] : memref<50x4096xi32, #tpu.memory_space<hbm>> -> memref<1x4096xi32, #tpu.memory_space<hbm>>
        %dma_start3A_191 = tpu.memref_squeeze %dma_start3A_190 : memref<1x4096xi32, #tpu.memory_space<hbm>> -> memref<4096xi32, #tpu.memory_space<hbm>>
        %dma_start3A_192 = arith.constant 0 : i32
        %dma_start3A_193 = tpu.memref_slice %arg6[%dma_start3A_185, %dma_start3A_192] : memref<2x4096xi32, #tpu.memory_space<vmem>> -> memref<1x4096xi32, #tpu.memory_space<vmem>>
        %dma_start3A_194 = tpu.memref_squeeze %dma_start3A_193 : memref<1x4096xi32, #tpu.memory_space<vmem>> -> memref<4096xi32, #tpu.memory_space<vmem>>
        %dma_start3A_195 = arith.constant 0 : i32
        %dma_start3A_196 = tpu.memref_slice %arg3[%add3A_184, %dma_start3A_195] : memref<50x4096xi32, #tpu.memory_space<hbm>> -> memref<1x4096xi32, #tpu.memory_space<hbm>>
        %dma_start3A_197 = tpu.memref_squeeze %dma_start3A_196 : memref<1x4096xi32, #tpu.memory_space<hbm>> -> memref<4096xi32, #tpu.memory_space<hbm>>
        tpu.enqueue_dma source(%dma_start3A_197 : memref<4096xi32, #tpu.memory_space<hbm>>) target(%dma_start3A_194 : memref<4096xi32, #tpu.memory_space<vmem>>) target_semaphore(%arg8 : memref<!tpu.dma_semaphore, #tpu.memory_space<semaphore_mem>>)
      } else {
      }
      %dma_wait3A_150 = arith.constant 1 : i32
      %dma_wait3A_151 = arith.constant 0 : i32
      %dma_wait3A_152 = arith.constant 0 : i32
      %dma_wait3A_153 = arith.constant 0 : i32
      %dma_wait3A_154 = tpu.memref_slice %arg7[%dma_wait3A_150, %dma_wait3A_153] : memref<2x4096xf32, #tpu.memory_space<vmem>> -> memref<1x4096xf32, #tpu.memory_space<vmem>>
      %dma_wait3A_155 = tpu.memref_squeeze %dma_wait3A_154 : memref<1x4096xf32, #tpu.memory_space<vmem>> -> memref<4096xf32, #tpu.memory_space<vmem>>
      %dma_wait3A_156 = arith.constant 0 : i32
      %dma_wait3A_157 = tpu.memref_slice %arg4[%dma_wait3A_151, %dma_wait3A_152, %dma_wait3A_156] : memref<50x64x4096xf32, #tpu.memory_space<hbm>> -> memref<1x1x4096xf32, #tpu.memory_space<hbm>>
      %dma_wait3A_158 = tpu.memref_squeeze %dma_wait3A_157 : memref<1x1x4096xf32, #tpu.memory_space<hbm>> -> memref<4096xf32, #tpu.memory_space<hbm>>
      %dma_wait3A_159 = arith.constant 0 : i32
      %dma_wait3A_160 = tpu.memref_slice %arg4[%dma_wait3A_151, %dma_wait3A_152, %dma_wait3A_159] : memref<50x64x4096xf32, #tpu.memory_space<hbm>> -> memref<1x1x4096xf32, #tpu.memory_space<hbm>>
      %dma_wait3A_161 = tpu.memref_squeeze %dma_wait3A_160 : memref<1x1x4096xf32, #tpu.memory_space<hbm>> -> memref<4096xf32, #tpu.memory_space<hbm>>
      %dma_wait3A_162 = arith.constant 0 : i32
      %dma_wait3A_163 = tpu.memref_slice %arg7[%dma_wait3A_150, %dma_wait3A_162] : memref<2x4096xf32, #tpu.memory_space<vmem>> -> memref<1x4096xf32, #tpu.memory_space<vmem>>
      %dma_wait3A_164 = tpu.memref_squeeze %dma_wait3A_163 : memref<1x4096xf32, #tpu.memory_space<vmem>> -> memref<4096xf32, #tpu.memory_space<vmem>>
      tpu.wait_dma2 semaphore(%arg10 : memref<!tpu.dma_semaphore, #tpu.memory_space<semaphore_mem>>) src(%dma_wait3A_164 : memref<4096xf32, #tpu.memory_space<vmem>>) dst(%dma_wait3A_161 : memref<4096xf32, #tpu.memory_space<hbm>>)
      %parallel_loop3A_165 = arith.constant 0 : i32
      %parallel_loop3A_166 = arith.constant 4096 : i32
      %parallel_loop3A_167 = arith.constant 16 : i32
      %parallel_loop3A_168 = arith.constant 1 : i32
      %parallel_loop3A_169 = arith.constant 1 : i32
      scf.for %parallel_loop3A_183 = %parallel_loop3A_165 to %parallel_loop3A_166 step %parallel_loop3A_167  : i32 {
        %parallel_loop3A_184 = arith.constant 0 : i32
        %parallel_loop3A_185 = tpu.memref_slice %arg6[%parallel_loop3A_168, %parallel_loop3A_184] : memref<2x4096xi32, #tpu.memory_space<vmem>> -> memref<1x4096xi32, #tpu.memory_space<vmem>>
        %parallel_loop3A_186 = tpu.memref_squeeze %parallel_loop3A_185 : memref<1x4096xi32, #tpu.memory_space<vmem>> -> memref<4096xi32, #tpu.memory_space<vmem>>
        %parallel_loop3A_187 = arith.index_cast %parallel_loop3A_183 : i32 to index
        %parallel_loop3A_188 = tpu.vector_load %parallel_loop3A_186[%parallel_loop3A_187] {strides = array<i32>} : memref<4096xi32, #tpu.memory_space<vmem>>, vector<16xi32>,
        %parallel_loop3A_189 = tpu.vector_load_idx %arg5[%parallel_loop3A_188] : memref<100000xf32, #tpu.memory_space<vmem>>[vector<16xi32>], vector<16xf32>,
        %parallel_loop3A_190 = arith.constant 0 : i32
        %parallel_loop3A_191 = tpu.memref_slice %arg7[%parallel_loop3A_169, %parallel_loop3A_190] : memref<2x4096xf32, #tpu.memory_space<vmem>> -> memref<1x4096xf32, #tpu.memory_space<vmem>>
        %parallel_loop3A_192 = tpu.memref_squeeze %parallel_loop3A_191 : memref<1x4096xf32, #tpu.memory_space<vmem>> -> memref<4096xf32, #tpu.memory_space<vmem>>
        %parallel_loop3A_193 = arith.index_cast %parallel_loop3A_183 : i32 to index
        %parallel_loop3A_194 = tpu.vector_load %parallel_loop3A_192[%parallel_loop3A_193] {strides = array<i32>} : memref<4096xf32, #tpu.memory_space<vmem>>, vector<16xf32>,
        tpu.vector_store %parallel_loop3A_192[%parallel_loop3A_193], %parallel_loop3A_189 {strides = array<i32>} : memref<4096xf32, #tpu.memory_space<vmem>>, vector<16xf32>,
      } {sc.loop_unroll_factor = 8 : i64, sc.parallel_access}
      %dma_start3A_170 = arith.constant 1 : i32
      %dma_start3A_171 = arith.constant 0 : i32
      %dma_start3A_172 = tpu.memref_slice %arg7[%dma_start3A_170, %dma_start3A_171] : memref<2x4096xf32, #tpu.memory_space<vmem>> -> memref<1x4096xf32, #tpu.memory_space<vmem>>
      %dma_start3A_173 = tpu.memref_squeeze %dma_start3A_172 : memref<1x4096xf32, #tpu.memory_space<vmem>> -> memref<4096xf32, #tpu.memory_space<vmem>>
      %dma_start3A_174 = arith.constant 0 : i32
      %dma_start3A_175 = tpu.memref_slice %arg4[%add3A_128, %add3A_21, %dma_start3A_174] : memref<50x64x4096xf32, #tpu.memory_space<hbm>> -> memref<1x1x4096xf32, #tpu.memory_space<hbm>>
      %dma_start3A_176 = tpu.memref_squeeze %dma_start3A_175 : memref<1x1x4096xf32, #tpu.memory_space<hbm>> -> memref<4096xf32, #tpu.memory_space<hbm>>
      %dma_start3A_177 = arith.constant 0 : i32
      %dma_start3A_178 = tpu.memref_slice %arg4[%add3A_128, %add3A_21, %dma_start3A_177] : memref<50x64x4096xf32, #tpu.memory_space<hbm>> -> memref<1x1x4096xf32, #tpu.memory_space<hbm>>
      %dma_start3A_179 = tpu.memref_squeeze %dma_start3A_178 : memref<1x1x4096xf32, #tpu.memory_space<hbm>> -> memref<4096xf32, #tpu.memory_space<hbm>>
      %dma_start3A_180 = arith.constant 0 : i32
      %dma_start3A_181 = tpu.memref_slice %arg7[%dma_start3A_170, %dma_start3A_180] : memref<2x4096xf32, #tpu.memory_space<vmem>> -> memref<1x4096xf32, #tpu.memory_space<vmem>>
      %dma_start3A_182 = tpu.memref_squeeze %dma_start3A_181 : memref<1x4096xf32, #tpu.memory_space<vmem>> -> memref<4096xf32, #tpu.memory_space<vmem>>
      tpu.enqueue_dma source(%dma_start3A_182 : memref<4096xf32, #tpu.memory_space<vmem>>) target(%dma_start3A_179 : memref<4096xf32, #tpu.memory_space<hbm>>) target_semaphore(%arg10 : memref<!tpu.dma_semaphore, #tpu.memory_space<semaphore_mem>>)
    }
    %scan3A_40 = arith.constant 25 : i32
    %dma_wait3A = arith.constant 0 : i32
    %dma_wait3A_41 = arith.constant 0 : i32
    %dma_wait3A_42 = arith.constant 0 : i32
    %dma_wait3A_43 = arith.constant 0 : i32
    %dma_wait3A_44 = tpu.memref_slice %arg7[%dma_wait3A, %dma_wait3A_43] : memref<2x4096xf32, #tpu.memory_space<vmem>> -> memref<1x4096xf32, #tpu.memory_space<vmem>>
    %dma_wait3A_45 = tpu.memref_squeeze %dma_wait3A_44 : memref<1x4096xf32, #tpu.memory_space<vmem>> -> memref<4096xf32, #tpu.memory_space<vmem>>
    %dma_wait3A_46 = arith.constant 0 : i32
    %dma_wait3A_47 = tpu.memref_slice %arg4[%dma_wait3A_41, %dma_wait3A_42, %dma_wait3A_46] : memref<50x64x4096xf32, #tpu.memory_space<hbm>> -> memref<1x1x4096xf32, #tpu.memory_space<hbm>>
    %dma_wait3A_48 = tpu.memref_squeeze %dma_wait3A_47 : memref<1x1x4096xf32, #tpu.memory_space<hbm>> -> memref<4096xf32, #tpu.memory_space<hbm>>
    %dma_wait3A_49 = arith.constant 0 : i32
    %dma_wait3A_50 = tpu.memref_slice %arg4[%dma_wait3A_41, %dma_wait3A_42, %dma_wait3A_49] : memref<50x64x4096xf32, #tpu.memory_space<hbm>> -> memref<1x1x4096xf32, #tpu.memory_space<hbm>>
    %dma_wait3A_51 = tpu.memref_squeeze %dma_wait3A_50 : memref<1x1x4096xf32, #tpu.memory_space<hbm>> -> memref<4096xf32, #tpu.memory_space<hbm>>
    %dma_wait3A_52 = arith.constant 0 : i32
    %dma_wait3A_53 = tpu.memref_slice %arg7[%dma_wait3A, %dma_wait3A_52] : memref<2x4096xf32, #tpu.memory_space<vmem>> -> memref<1x4096xf32, #tpu.memory_space<vmem>>
    %dma_wait3A_54 = tpu.memref_squeeze %dma_wait3A_53 : memref<1x4096xf32, #tpu.memory_space<vmem>> -> memref<4096xf32, #tpu.memory_space<vmem>>
    tpu.wait_dma2 semaphore(%arg9 : memref<!tpu.dma_semaphore, #tpu.memory_space<semaphore_mem>>) src(%dma_wait3A_54 : memref<4096xf32, #tpu.memory_space<vmem>>) dst(%dma_wait3A_51 : memref<4096xf32, #tpu.memory_space<hbm>>)
    %dma_wait3A_55 = arith.constant 1 : i32
    %dma_wait3A_56 = arith.constant 0 : i32
    %dma_wait3A_57 = arith.constant 0 : i32
    %dma_wait3A_58 = arith.constant 0 : i32
    %dma_wait3A_59 = tpu.memref_slice %arg7[%dma_wait3A_55, %dma_wait3A_58] : memref<2x4096xf32, #tpu.memory_space<vmem>> -> memref<1x4096xf32, #tpu.memory_space<vmem>>
    %dma_wait3A_60 = tpu.memref_squeeze %dma_wait3A_59 : memref<1x4096xf32, #tpu.memory_space<vmem>> -> memref<4096xf32, #tpu.memory_space<vmem>>
    %dma_wait3A_61 = arith.constant 0 : i32
    %dma_wait3A_62 = tpu.memref_slice %arg4[%dma_wait3A_56, %dma_wait3A_57, %dma_wait3A_61] : memref<50x64x4096xf32, #tpu.memory_space<hbm>> -> memref<1x1x4096xf32, #tpu.memory_space<hbm>>
    %dma_wait3A_63 = tpu.memref_squeeze %dma_wait3A_62 : memref<1x1x4096xf32, #tpu.memory_space<hbm>> -> memref<4096xf32, #tpu.memory_space<hbm>>
    %dma_wait3A_64 = arith.constant 0 : i32
    %dma_wait3A_65 = tpu.memref_slice %arg4[%dma_wait3A_56, %dma_wait3A_57, %dma_wait3A_64] : memref<50x64x4096xf32, #tpu.memory_space<hbm>> -> memref<1x1x4096xf32, #tpu.memory_space<hbm>>
    %dma_wait3A_66 = tpu.memref_squeeze %dma_wait3A_65 : memref<1x1x4096xf32, #tpu.memory_space<hbm>> -> memref<4096xf32, #tpu.memory_space<hbm>>
    %dma_wait3A_67 = arith.constant 0 : i32
    %dma_wait3A_68 = tpu.memref_slice %arg7[%dma_wait3A_55, %dma_wait3A_67] : memref<2x4096xf32, #tpu.memory_space<vmem>> -> memref<1x4096xf32, #tpu.memory_space<vmem>>
    %dma_wait3A_69 = tpu.memref_squeeze %dma_wait3A_68 : memref<1x4096xf32, #tpu.memory_space<vmem>> -> memref<4096xf32, #tpu.memory_space<vmem>>
    tpu.wait_dma2 semaphore(%arg10 : memref<!tpu.dma_semaphore, #tpu.memory_space<semaphore_mem>>) src(%dma_wait3A_69 : memref<4096xf32, #tpu.memory_space<vmem>>) dst(%dma_wait3A_66 : memref<4096xf32, #tpu.memory_space<hbm>>)
    return
  }
}

</mosaic_0001>

<sc_bundles>
// kernel: kernel.3.cloned.1.call-start
scs
__scs_entry_jumppad:
0x0: {  	(pc) =	sbr.rel $0x88, $3  }
0x1: {  	(tag) =	ssettag $0x0;
	lr =	simm.s32 $0x1  }
0x2: {  	[smem:$0x3F9F] =	sst lr;
	_ =	strace $0xD0000000  }
0x3: {  	_ = 	snop  }
0x4: {  	_ = 	snop  }
0x5: {  	_ = 	snop  }
0x6: {  	_ = 	snop  }
0x7: {  	_ = 	snop  }
__scs_overlays_trampoline_lowered:
0x8: {  	[smem:$0x3FAE] =	sst s0  }
0x9: {  	[smem:$0x3FAF] =	sst s1  }
0xa: {  	[smem:$0x3FB0] =	sst s2  }
0xb: {  	[smem:$0x3FB1] =	sst s3  }
0xc: {  	[smem:$0x3FB2] =	sst s4  }
0xd: {  	[smem:$0x3FB3] =	sst s5  }
0xe: {  	[smem:$0x3FB4] =	sst s6  }
0xf: {  	[smem:$0x3FB5] =	sst s7  }
0x10: {  	[smem:$0x3FB6] =	sst s8  }
0x11: {  	[smem:$0x3FB7] =	sst s9;
	s0 =	simm.s32 @!p0 $0x0  }
0x12: {  	s1 =	sld [smem:$0x3F9D];
	s0 =	simm.s32 @p0 $0x1  }
0x13: {  	[smem:$0x3FB8] =	sst s0;
	s0 =	simm.s32 @!p1 $0x0  }
0x14: {  	s2 =	sld [smem:$0x3F9C];
	s0 =	simm.s32 @p1 $0x1  }
0x15: {  	[smem:$0x3FB9] =	sst s0;
	s0 =	simm.s32 @!p2 $0x0  }
0x16: {  	s3 =	sld [smem:$0x3FDB];
	s0 =	simm.s32 @p2 $0x1  }
0x17: {  	s4 =	simm.s32 $0x1BF5;
	[smem:$0x3FBB] =	sst s0  }
0x18: {  	s0 =	sld [smem:$0x3F9E];
	_ =	swait.ge [sflag:s4], $0x0  }
0x19: {  	s7 =	sld [smem:$0x3F9F]  }
0x1a: {  	s8 =	sadd.s32 $0xFFFFE003, lr  }
0x1b: {  	s9 =	sadd.s32 $0xFFFFFEF7, lr;
	s5 =	simm.s32 $0xFFFFFFFF;
	p2 =	slt.u32 s8, $0xFFFFF086  }
0x1c: {  	p1 =	slt.u32 s9, $0xF7A;
	s5 =	simm.s32 @!p2 $0x0  }
0x1d: {  	s5 =	simm.s32 @p1 $0x1;
	p0 =	seq.s32 s7, s2  }
0x1e: {  	s7 =	smul.u32 @!p0 $0xF7A, s2;
	p2 =	seq.s32 @!p0 s5, $0x0  }
0x1f: {  	s9 =	smul.u32 $0xF7A, s1;
	s8 =	simm.s32 @!p0 $0x1BF5;
	p2 =	por !p2, p0  }
0x20: {  	[sflag:s8] =	ssyncset.s32 @!p0 $0xFFFFF086;
	s6 =	sadd.s32 @!p0 s3, s7;
	s7 =	simm.s32 @!p0 $0x108  }
0x21: {  	s3 =	sadd.s32 s3, s9;
	s6 =	sadd.s32 @!p0 $0x88, s6;
	s7 =	simm.s32 @p2 $0x1082  }
0x22: {  	[simem:s7], [sflag:s8] =	dma.local @!p0 [hbm:s6], $0xF7A  }
0x23: {  	s9 =	sor.u32 $0xD0000000, s2;
	s6 =	simm.s32 $0x108;
	_ =	swait.ge @!p0 [sflag:s8], $0x0  }
0x24: {  	s3 =	sadd.s32 $0x88, s3;
	s6 =	simm.s32 @!p1 $0x1082;
	[sflag:s4] =	ssyncset.s32 $0xFFFFF086  }
0x25: {  	[simem:s6], [sflag:s4] =	dma.local [hbm:s3], $0xF7A  }
0x26: {  	[smem:$0x3F9F] =	sst s1;
	(tag) =	ssettag s2;
	_ =	strace s9  }
0x27: {  	s1 =	sld [smem:$0x3FAF]  }
0x28: {  	s2 =	sld [smem:$0x3FB0]  }
0x29: {  	s4 =	sld [smem:$0x3FB2]  }
0x2a: {  	p0 =	seq.s32 s5, $0x0;
	s5 =	sld [smem:$0x3FB3]  }
0x2b: {  	s6 =	sld [smem:$0x3FB4]  }
0x2c: {  	s7 =	sld [smem:$0x3FB5]  }
0x2d: {  	s3 =	simm.s32 $0x108;
	s8 =	sld [smem:$0x3FB6]  }
0x2e: {  	s3 =	simm.s32 @!p0 $0x1082;
	s9 =	sld [smem:$0x3FB7]  }
0x2f: {  	lr =	sadd.s32 s0, s3;
	s0 =	sld [smem:$0x3FAE]  }
0x30: {  	s3 =	sld [smem:$0x3FB1]  }
0x31: {  	[smem:$0x3FBA] =	sst s10  }
0x32: {  	s10 =	sld [smem:$0x3FB8];
	_ =	sdelay $0x3  }
0x33: {  	p0 =	seq.s32 s10, $0x1;
	s10 =	sld [smem:$0x3FBA];
	_ =	sdelay $0x3  }
0x34: {  	[smem:$0x3FBA] =	sst s10  }
0x35: {  	s10 =	sld [smem:$0x3FB9];
	_ =	sdelay $0x3  }
0x36: {  	p1 =	seq.s32 s10, $0x1;
	s10 =	sld [smem:$0x3FBA];
	_ =	sdelay $0x3  }
0x37: {  	[smem:$0x3FBA] =	sst s10  }
0x38: {  	s10 =	sld [smem:$0x3FBB]  }
0x39: {  	_ = 	snop;
	(pc) =	sbr.ind lr, $3  }
0x3a: {  	_ = 	snop  }
0x3b: {  	_ = 	snop  }
0x3c: {  	p2 =	seq.s32 s10, $0x1;
	s10 =	sld [smem:$0x3FBA]  }
0x3d: {  	_ =	shalt  }
0x3e: {  	_ =	shalt  }
0x3f: {  	_ =	shalt  }
0x40: {  	_ =	shalt  }
0x41: {  	_ =	shalt  }
0x42: {  	_ =	shalt  }
0x43: {  	_ =	shalt  }
0x44: {  	_ =	shalt  }
0x45: {  	_ =	shalt  }
0x46: {  	_ =	shalt  }
0x47: {  	_ =	shalt  }
0x48: {  	_ =	shalt  }
0x49: {  	_ =	shalt  }
0x4a: {  	_ =	shalt  }
0x4b: {  	_ =	shalt  }
0x4c: {  	_ =	shalt  }
0x4d: {  	_ =	shalt  }
0x4e: {  	_ =	shalt  }
0x4f: {  	_ =	shalt  }
0x50: {  	_ =	shalt  }
0x51: {  	_ =	shalt  }
0x52: {  	_ =	shalt  }
0x53: {  	_ =	shalt  }
0x54: {  	_ =	shalt  }
0x55: {  	_ =	shalt  }
0x56: {  	_ =	shalt  }
0x57: {  	_ =	shalt  }
0x58: {  	_ =	shalt  }
0x59: {  	_ =	shalt  }
0x5a: {  	_ =	shalt  }
0x5b: {  	_ =	shalt  }
0x5c: {  	_ =	shalt  }
0x5d: {  	_ =	shalt  }
0x5e: {  	_ =	shalt  }
0x5f: {  	_ =	shalt  }
0x60: {  	_ =	shalt  }
0x61: {  	_ =	shalt  }
0x62: {  	_ =	shalt  }
0x63: {  	_ =	shalt  }
0x64: {  	_ =	shalt  }
0x65: {  	_ =	shalt  }
0x66: {  	_ =	shalt  }
0x67: {  	_ =	shalt  }
0x68: {  	_ =	shalt  }
0x69: {  	_ =	shalt  }
0x6a: {  	_ =	shalt  }
0x6b: {  	_ =	shalt  }
0x6c: {  	_ =	shalt  }
0x6d: {  	_ =	shalt  }
0x6e: {  	_ =	shalt  }
0x6f: {  	_ =	shalt  }
0x70: {  	_ =	shalt  }
0x71: {  	_ =	shalt  }
0x72: {  	_ =	shalt  }
0x73: {  	_ =	shalt  }
0x74: {  	_ =	shalt  }
0x75: {  	_ =	shalt  }
0x76: {  	_ =	shalt  }
0x77: {  	_ =	shalt  }
0x78: {  	_ =	shalt  }
0x79: {  	_ =	shalt  }
0x7a: {  	_ =	shalt  }
0x7b: {  	_ =	shalt  }
0x7c: {  	_ =	shalt  }
0x7d: {  	_ =	shalt  }
0x7e: {  	_ =	shalt  }
0x7f: {  	_ =	shalt  }
0x80: {  	_ =	shalt  }
0x81: {  	_ =	shalt  }
0x82: {  	_ =	shalt  }
0x83: {  	_ =	shalt  }
0x84: {  	_ =	shalt  }
0x85: {  	_ =	shalt  }
0x86: {  	_ =	shalt  }
0x87: {  	_ =	shalt  }
.Lfunc_end0:
.L_simem_size_0:
called_computation_lowered:
.L_overlay_start_0:
0x88: {  	s2 =	sld [smem:$0x3FD9]  }
0x89: {  	s3 =	sld [smem:$0x3FFE];
	_ =	sdelay $0x1  }
0x8a: {  	s1 =	srdreg.scid  }
0x8b: {  	s0 =	sand.u32 $0x1, s1  }
0x8c: {  	s17 =	sshll.u32 s0, $0xA;
	s2 =	sadd.s32 s3, s2  }
0x8d: {  	s2 =	sadd.s32 s2, s17  }
0x8e: {  	[smem:$0x3FC6] =	sst s2  }
0x8f: {  	_ = 	snop  }
0x90: {  	s2 =	sld [smem:$0x3FD0];
	(tm) =	ssettm $0x1  }
0x91: {  	s18 =	sld [smem:$0x3FFB];
	_ =	sdelay $0x3  }
0x92: {  	_ =	strace s18  }
0x93: {  	s3 =	sld [smem:$0x3FFC];
	_ =	sdelay $0x3  }
0x94: {  	_ =	strace s3  }
0x95: {  	s3 =	sld [smem:$0x3FFD];
	_ =	sdelay $0x3  }
0x96: {  	_ =	strace s3  }
0x97: {  	_ =	strace $0x8FFFFFFF  }
0x98: {  	s19 =	sld [smem:$0x3FDB];
	_ =	sdelay $0x1  }
0x99: {  	s4 =	simm.s32 $_scs_section_size  }
0x9a: {  	s5 =	simm.s32 $_size__tile_overlayer_lowered;
	s6 =	simm.s32 $_tile_overlayer_lowered  }
0x9b: {  	s22 =	simm.s32 $0x1BFF;
	s21 =	sshll.u32 s6, $0x1;
	s3 =	sadd.s32 s4, s19  }
0x9c: {  	s7 =	simm.s32 $0x0;
	s20 =	sshll.u32 s5, $0x1;
	s5 =	sadd.s32 s21, s3  }
0x9d: {  	[timem:s7], [sflag:s22] =	dma.local [hbm:s5], s20  }
0x9e: {  	_ =	swait.ge [sflag:s22], s20  }
0x9f: {  	s4 =	ssub.s32 $0x0, s20;
	[sflag:s22] =	ssyncset.done $0x0  }
0xa0: {  	[sflag:s22] =	ssyncadd.s32 s4;
	_ =	sdelay $0x1  }
0xa1: {  	s23 =	simm.s32 $0x1B8B  }
0xa2: {  	_ =	swait.ge [sflag:s23], $0x1  }
0xa3: {  	[sflag:s23] =	ssyncset.done $0x0  }
0xa4: {  	s25 =	simm.s32 $0x1B8E;
	s24 =	sld [smem:$0x3FFE];
	[sflag:s23] =	ssyncadd.s32 $0xFFFFFFFF  }
0xa5: {  	s26 =	simm.s32 $execute0_lowered;
	[smem:$0x3FD2] =	sst s25  }
0xa6: {  	s5 =	sshll.u32 s26, $0x1;
	_ =	strace $0x80000046;
	[dreg:$0x1] =	wrdreg $0xFFFFFFFF  }
0xa7: {  	s28 =	simm.s32 $_size_execute0_lowered;
	s3 =	sadd.s32 s3, s5;
	[dreg:$0x0] =	wrdreg $0x0  }
0xa8: {  	s5 =	sshll.u32 s28, $0x1;
	[dreg:$0x2] =	wrdreg s3  }
0xa9: {  	[dreg:$0x3] =	wrdreg s5  }
0xaa: {  	[dreg:$0x4] =	wrdreg $0xC0  }
0xab: {  	_ =	task [dreg:s7], $0x5FFFF  }
0xac: {  	[dreg:$0x1] =	wrdreg $0xFFFFFFFF  }
0xad: {  	[dreg:$0x0] =	wrdreg $0x60  }
0xae: {  	[dreg:$0x2] =	wrdreg s2  }
0xaf: {  	[dreg:$0x3] =	wrdreg s24  }
0xb0: {  	[dreg:$0x4] =	wrdreg $0x9  }
0xb1: {  	_ =	task.clear_ibuf [dreg:s7], $0x5FFFF;
	_ =	strace $0x90000046  }
0xb2: {  	s29 =	simm.s32 $0x9;
	_ =	strace $0x80000048  }
0xb3: {  	_ =	swait.ge [sflag:s29], $0x1  }
0xb4: {  	[sflag:s29] =	ssyncadd.s32 $0xFFFFFFFF  }
0xb5: {  	_ =	strace $0x90000048  }
0xb6: {  	_ =	sfence  }
0xb7: {  	s30 =	sld [smem:$0x0];
	_ =	sdelay $0x2  }
0xb8: {  	s31 =	sshll.u32 s1, $0xD;
	s1 =	sshrl.u32 s1, $0x2  }
0xb9: {  	s3 =	sand.u32 $0x4000, s31;
	s1 =	sadd.s32 s1, s30  }
0xba: {  	s0 =	sor.u32 s3, s0;
	s1 =	sshll.u32 s1, $0x11  }
0xbb: {  	s0 =	sor.u32 s1, s0  }
0xbc: {  	s0 =	sadd.s32 $0x8F2B, s0  }
0xbd: {  	[sflag:s0] =	ssyncadd.remote.s32 $0x1  }
0xbe: {  	_ =	sfence.sel $0xFFFF  }
0xbf: {  	[dreg:$0x0] =	wrdreg $0xFFFFFFFF;
	(pc) =	sbr.abs _section_cstart, $3  }
0xc0: {  	[dreg:$0x1] =	wrdreg $0xFFFFFFFF  }
0xc1: {  	_ =	task.clear_ibuf [dreg:s7], $0x2FFFF;
	_ =	strace $0x9FFFFFFF  }
0xc2: {  	(tm) =	ssettm $0x7FFFFFFF  }
0xc3: {  	_ =	shalt  }
tec
execute0_lowered:
.L_overlay_start_1:
0x0: {  	(tag) =	ssettag $0x1  }
0x1: {  	s8 =	rddreg [dreg:$0x0]  }
0x2: {  	s7 =	rddreg [dreg:$0x1]  }
0x3: {  	s0 =	rddreg [dreg:$0x2];
	s2 =	simm.s32 $0x0  }
0x4: {  	s3 =	srdreg.scid;
	s1 =	stileid.u32;
	s14 =	simm.s32 $0x196A0  }
0x5: {  	s15 =	simm.s32 $0x1A6A0;
	s16 =	simm.s32 $0x1B6A0;
	s17 =	simm.s32 $0x2  }
0x6: {  	s18 =	simm.s32 $0x3;
	s19 =	simm.s32 $0x0;
	[smem:$0x7FF] =	sst s2  }
0x7: {  	s4 =	sand.u32 $0x1, s3;
	s5 =	sshll.u32 s1, $0x1;
	s3 =	sadd.s32 $0x400, s7  }
0x8: {  	_ =	strace $0x80000047;
	s6 =	ssub.s32 $0x2, s4;
	s9 =	sor.u32 s4, s5  }
0x9: {  	s4 =	sadd.s32 $0x6800, s7;
	s7 =	sadd.s32 $0x800, s7;
	s31 =	sshrl.u32 s6, $0x1  }
0xa: {  	s10 =	smul.u32 $0x30D4, s9;
	s11 =	sor.u32 $0x20, s9;
	s12 =	ssub.s32 s6, s31  }
0xb: {  	s13 =	smul.u32 $0x30D4, s11;
	s6 =	sshll.u32 s9, $0xC;
	s9 =	sshll.u32 s11, $0xC  }
0xc: {  	s11 =	simm.s32 $0x4;
	s5 =	sadd.s32 s8, s10;
	s10 =	smax.u32 s12, $0x1  }
0xd: {  	s12 =	simm.s32 $0x186A0;
	s8 =	sadd.s32 s8, s13;
	s13 =	simm.s32 $0x1  }
.LBB2_1:
0xe: {  	[tilespmem:s2], [sflag:$0x4] =	stream.linear.gather [hbm4b:s5+s2], $0x186A0, $0x38;
	[tilespmem:$0x1C6A0] =	vst v63  }
0xf: {  	_ =	swait.ge [sflag:s11], $0x186A0  }
0x10: {  	[sflag:s11] =	ssyncset.done $0x0  }
0x11: {  	s20 =	simm.s32 $0x0;
	[sflag:s11] =	ssyncadd.s32 $0xFFFE7960  }
0x12: {  	[tilespmem:s12], [sflag:$0x1] =	stream.linear.gather [hbm4b:s3+s2], $0x1000, $0x38;
	[tilespmem:$0x1C6A0] =	vst v63  }
.LBB2_2:
0x13: {  	_ =	swait.ge [sflag:s13], $0x1000;
	s21 =	sshllo.u32 s20, $0x1  }
0x14: {  	[sflag:s13] =	ssyncset.done $0x0;
	s22 =	sshll.u32 s21, $0x9  }
0x15: {  	p0 =	seq.s32 s20, $0x0;
	[sflag:s13] =	ssyncadd.s32 $0xFFFFF000;
	s22 =	sadd.s32 s3, s22  }
0x16: {  	[tilespmem:s14], [sflag:$0x1] =	stream.linear.gather [hbm4b:s22+s2], $0x1000, $0x38;
	[tilespmem:$0x1C6A0] =	vst v63  }
0x17: {  	s22 =	simm.s32 @!p0 $0x2  }
0x18: {  	_ =	swait.ge @!p0 [sflag:s22], $0x1000  }
0x19: {  	[sflag:s22] =	ssyncset.done @!p0 $0x0  }
0x1a: {  	s31 =	simm.s32 $0x186E0;
	[sflag:s22] =	ssyncadd.s32 @!p0 $0xFFFFF000  }
0x1b: {  	v0 =	vld [tilespmem:s31+$0x30]  }
0x1c: {  	v1 =	vld [tilespmem:s31+$0xFFFFFFD0]  }
0x1d: {  	v2 =	vld [tilespmem:s31+$0xFFFFFFE0]  }
0x1e: {  	v3 =	vld [tilespmem:s31+$0xFFFFFFF0]  }
0x1f: {  	v6 =	vld [tilespmem:s31+$0x0]  }
0x20: {  	v7 =	vld [tilespmem:s31+$0x10]  }
0x21: {  	v8 =	vld [tilespmem:s31+$0x20]  }
0x22: {  	v9 =	vld [tilespmem:s31+$0xFFFFFFC0]  }
0x23: {  	v10 =	vld.idx.msk [tilespmem:v0+s2+$0x0], $0xffff  }
0x24: {  	v11 =	vld.idx.msk [tilespmem:v1+s2+$0x0], $0xffff  }
0x25: {  	v5 =	vld.idx.msk [tilespmem:v2+s2+$0x0], $0xffff  }
0x26: {  	v4 =	vld.idx.msk [tilespmem:v3+s2+$0x0], $0xffff  }
0x27: {  	v3 =	vld.idx.msk [tilespmem:v6+s2+$0x0], $0xffff  }
0x28: {  	s22 =	simm.s32 $0x1A6E0;
	v1 =	vld.idx.msk [tilespmem:v7+s2+$0x0], $0xffff  }
0x29: {  	v0 =	vld.idx.msk [tilespmem:v8+s2+$0x0], $0xffff;
	[tilespmem:s22+$0x30] =	vst v10  }
0x2a: {  	s23 =	simm.s32 $0x0;
	s24 =	simm.s32 $0x18760;
	v2 =	vld.idx.msk [tilespmem:v9+s2+$0x0], $0xffff;
	[tilespmem:s22+$0xFFFFFFD0] =	vst v11  }
.LBB2_3:
0x2b: {  	v6 =	vld [tilespmem:s24+$0x30];
	s23 =	sadd.s32 $0x80, s23;
	[tilespmem:s22+$0xFFFFFFE0] =	vst v5  }
0x2c: {  	v5 =	vld [tilespmem:s24+$0xFFFFFFD0];
	p0 =	slt.u32 s23, $0xF80;
	[tilespmem:s22+$0xFFFFFFF0] =	vst v4  }
0x2d: {  	v4 =	vld [tilespmem:s24+$0xFFFFFFE0];
	[tilespmem:s22+$0x0] =	vst v3  }
0x2e: {  	v3 =	vld [tilespmem:s24+$0xFFFFFFF0];
	[tilespmem:s22+$0x10] =	vst v1  }
0x2f: {  	v1 =	vld [tilespmem:s24+$0x0];
	[tilespmem:s22+$0x20] =	vst v0  }
0x30: {  	v0 =	vld [tilespmem:s24+$0x10];
	[tilespmem:s22+$0xFFFFFFC0] =	vst v2  }
0x31: {  	v2 =	vld [tilespmem:s24+$0x20]  }
0x32: {  	v7 =	vld [tilespmem:s24+$0xFFFFFFC0]  }
0x33: {  	v6 =	vld.idx.msk [tilespmem:v6+s2+$0x0], $0xffff  }
0x34: {  	v8 =	vld.idx.msk [tilespmem:v5+s2+$0x0], $0xffff  }
0x35: {  	v5 =	vld.idx.msk [tilespmem:v4+s2+$0x0], $0xffff  }
.Ltmp0:
0x36: {  	v4 =	vld.idx.msk [tilespmem:v3+s2+$0x0], $0xffff;
	(pc) =	sbr.rel @p0 .LBB2_3-.Ltmp0, $4  }
0x37: {  	v3 =	vld.idx.msk [tilespmem:v1+s2+$0x0], $0xffff  }
0x38: {  	s22 =	sadd.s32 $0x80, s22;
	v1 =	vld.idx.msk [tilespmem:v0+s2+$0x0], $0xffff  }
0x39: {  	v0 =	vld.idx.msk [tilespmem:v2+s2+$0x0], $0xffff;
	[tilespmem:s22+$0x30] =	vst v6  }
0x3a: {  	s24 =	sadd.s32 $0x80, s24;
	v2 =	vld.idx.msk [tilespmem:v7+s2+$0x0], $0xffff;
	[tilespmem:s22+$0xFFFFFFD0] =	vst v8  }
0x3b: {  	[tilespmem:s22+$0xFFFFFFE0] =	vst v5  }
0x3c: {  	[tilespmem:s22+$0xFFFFFFF0] =	vst v4  }
0x3d: {  	s23 =	sshll.u32 s20, $0x13;
	[tilespmem:s22+$0x0] =	vst v3  }
0x3e: {  	s23 =	sor.u32 s6, s23;
	[tilespmem:s22+$0x10] =	vst v1  }
0x3f: {  	s23 =	sshrl.u32 s23, $0x3;
	[tilespmem:s22+$0x20] =	vst v0  }
0x40: {  	p0 =	seq.s32 s20, $0x18;
	s30 =	sadd.s32 s4, s23;
	[tilespmem:s22+$0xFFFFFFC0] =	vst v2  }
0x41: {  	[hbm4b:s30+s2] =	stream.linear.scatter [tilespmem:s15], [sflag:$0x2], $0x1000, $0x38;
	[tilespmem:$0x1C6A0] =	vst v63  }
0x42: {  	p1 =	seq.s32 @!p0 s20, $0x0;
	_ =	swait.ge [sflag:s13], $0x1000  }
0x43: {  	s24 =	simm.s32 @!p0 $0x186A0;
	s22 =	sshll.u32 @!p0 s20, $0xA;
	[sflag:s13] =	ssyncset.done $0x0  }
0x44: {  	s23 =	simm.s32 @!p0 $0x0;
	s22 =	sadd.s32 @!p0 s22, s7;
	[sflag:s13] =	ssyncadd.s32 $0xFFFFF000  }
0x45: {  	[tilespmem:s24], [sflag:$0x1] =	stream.linear.gather @!p0 [hbm4b:s22+s23], $0x1000, $0x38;
	[tilespmem:$0x1C6A0] =	vst v63  }
0x46: {  	p0 =	por p0, !p1  }
0x47: {  	_ =	swait.ge @p0 [sflag:s18], $0x1000  }
0x48: {  	[sflag:s18] =	ssyncset.done @p0 $0x0  }
0x49: {  	s31 =	simm.s32 $0x19710;
	[sflag:s18] =	ssyncadd.s32 @p0 $0xFFFFF000  }
0x4a: {  	v0 =	vld [tilespmem:s31+$0x0]  }
0x4b: {  	v1 =	vld [tilespmem:s31+$0xFFFFFFA0]  }
0x4c: {  	v2 =	vld [tilespmem:s31+$0xFFFFFFB0]  }
0x4d: {  	v3 =	vld [tilespmem:s31+$0xFFFFFFC0]  }
0x4e: {  	v6 =	vld [tilespmem:s31+$0xFFFFFFD0]  }
0x4f: {  	v7 =	vld [tilespmem:s31+$0xFFFFFFE0]  }
0x50: {  	v8 =	vld [tilespmem:s31+$0xFFFFFFF0]  }
0x51: {  	v9 =	vld [tilespmem:s31+$0xFFFFFF90]  }
0x52: {  	v10 =	vld.idx.msk [tilespmem:v0+s2+$0x0], $0xffff  }
0x53: {  	v11 =	vld.idx.msk [tilespmem:v1+s2+$0x0], $0xffff  }
0x54: {  	v5 =	vld.idx.msk [tilespmem:v2+s2+$0x0], $0xffff  }
0x55: {  	v4 =	vld.idx.msk [tilespmem:v3+s2+$0x0], $0xffff  }
0x56: {  	v3 =	vld.idx.msk [tilespmem:v6+s2+$0x0], $0xffff  }
0x57: {  	s22 =	simm.s32 $0x1B710;
	v1 =	vld.idx.msk [tilespmem:v7+s2+$0x0], $0xffff  }
0x58: {  	v0 =	vld.idx.msk [tilespmem:v8+s2+$0x0], $0xffff;
	[tilespmem:s22+$0x0] =	vst v10  }
0x59: {  	s23 =	simm.s32 $0x0;
	s24 =	simm.s32 $0x19790;
	v2 =	vld.idx.msk [tilespmem:v9+s2+$0x0], $0xffff;
	[tilespmem:s22+$0xFFFFFFA0] =	vst v11  }
.LBB2_5:
0x5a: {  	v6 =	vld [tilespmem:s24+$0x0];
	s23 =	sadd.s32 $0x80, s23;
	[tilespmem:s22+$0xFFFFFFB0] =	vst v5  }
0x5b: {  	v5 =	vld [tilespmem:s24+$0xFFFFFFA0];
	p0 =	slt.u32 s23, $0xF80;
	[tilespmem:s22+$0xFFFFFFC0] =	vst v4  }
0x5c: {  	v4 =	vld [tilespmem:s24+$0xFFFFFFB0];
	[tilespmem:s22+$0xFFFFFFD0] =	vst v3  }
0x5d: {  	v3 =	vld [tilespmem:s24+$0xFFFFFFC0];
	[tilespmem:s22+$0xFFFFFFE0] =	vst v1  }
0x5e: {  	v1 =	vld [tilespmem:s24+$0xFFFFFFD0];
	[tilespmem:s22+$0xFFFFFFF0] =	vst v0  }
0x5f: {  	v0 =	vld [tilespmem:s24+$0xFFFFFFE0];
	[tilespmem:s22+$0xFFFFFF90] =	vst v2  }
0x60: {  	v2 =	vld [tilespmem:s24+$0xFFFFFFF0]  }
0x61: {  	v7 =	vld [tilespmem:s24+$0xFFFFFF90]  }
0x62: {  	v6 =	vld.idx.msk [tilespmem:v6+s2+$0x0], $0xffff  }
0x63: {  	v8 =	vld.idx.msk [tilespmem:v5+s2+$0x0], $0xffff  }
0x64: {  	v5 =	vld.idx.msk [tilespmem:v4+s2+$0x0], $0xffff  }
.Ltmp1:
0x65: {  	v4 =	vld.idx.msk [tilespmem:v3+s2+$0x0], $0xffff;
	(pc) =	sbr.rel @p0 .LBB2_5-.Ltmp1, $4  }
0x66: {  	v3 =	vld.idx.msk [tilespmem:v1+s2+$0x0], $0xffff  }
0x67: {  	s22 =	sadd.s32 $0x80, s22;
	v1 =	vld.idx.msk [tilespmem:v0+s2+$0x0], $0xffff  }
0x68: {  	v0 =	vld.idx.msk [tilespmem:v2+s2+$0x0], $0xffff;
	[tilespmem:s22+$0x0] =	vst v6  }
0x69: {  	s24 =	sadd.s32 $0x80, s24;
	v2 =	vld.idx.msk [tilespmem:v7+s2+$0x0], $0xffff;
	[tilespmem:s22+$0xFFFFFFA0] =	vst v8  }
0x6a: {  	[tilespmem:s22+$0xFFFFFFB0] =	vst v5;
	s20 =	sadd.s32 $0x1, s20  }
0x6b: {  	[tilespmem:s22+$0xFFFFFFC0] =	vst v4;
	p0 =	sne.s32 s20, $0x19  }
.Ltmp2:
0x6c: {  	s21 =	sshll.u32 s21, $0x12;
	[tilespmem:s22+$0xFFFFFFD0] =	vst v3;
	(pc) =	sbr.rel @p0 .LBB2_2-.Ltmp2, $4  }
0x6d: {  	s21 =	sor.u32 s6, s21;
	[tilespmem:s22+$0xFFFFFFE0] =	vst v1  }
0x6e: {  	s21 =	sshrl.u32 s21, $0x3;
	[tilespmem:s22+$0xFFFFFFF0] =	vst v0  }
0x6f: {  	s21 =	sadd.s32 s4, s21;
	[tilespmem:s22+$0xFFFFFF90] =	vst v2  }
0x70: {  	[hbm4b:s21+s2] =	stream.linear.scatter [tilespmem:s16], [sflag:$0x3], $0x1000, $0x38;
	[tilespmem:$0x1C6A0] =	vst v63  }
0x71: {  	s20 =	simm.s32 $0x0  }
0x72: {  	[tilespmem:s20], [sflag:$0x4] =	stream.linear.gather [hbm4b:s8+s20], $0x186A0, $0x38;
	[tilespmem:$0x1C6A0] =	vst v63  }
0x73: {  	_ =	swait.ge [sflag:s11], $0x186A0  }
0x74: {  	[sflag:s11] =	ssyncset.done $0x0  }
0x75: {  	[sflag:s11] =	ssyncadd.s32 $0xFFFE7960  }
0x76: {  	[tilespmem:s12], [sflag:$0x1] =	stream.linear.gather [hbm4b:s3+s20], $0x1000, $0x38;
	[tilespmem:$0x1C6A0] =	vst v63  }
.LBB2_8:
0x77: {  	_ =	swait.ge [sflag:s13], $0x1000;
	s21 =	sshllo.u32 s20, $0x1  }
0x78: {  	[sflag:s13] =	ssyncset.done $0x0;
	s22 =	sshll.u32 s21, $0x9  }
0x79: {  	[sflag:s13] =	ssyncadd.s32 $0xFFFFF000;
	s22 =	sadd.s32 s3, s22  }
0x7a: {  	[tilespmem:s14], [sflag:$0x1] =	stream.linear.gather [hbm4b:s22+s2], $0x1000, $0x38;
	[tilespmem:$0x1C6A0] =	vst v63  }
0x7b: {  	_ =	swait.ge [sflag:s17], $0x1000  }
0x7c: {  	[sflag:s17] =	ssyncset.done $0x0  }
0x7d: {  	s31 =	simm.s32 $0x186E0;
	[sflag:s17] =	ssyncadd.s32 $0xFFFFF000  }
0x7e: {  	v0 =	vld [tilespmem:s31+$0x30]  }
0x7f: {  	v1 =	vld [tilespmem:s31+$0xFFFFFFD0]  }
0x80: {  	v2 =	vld [tilespmem:s31+$0xFFFFFFE0]  }
0x81: {  	v3 =	vld [tilespmem:s31+$0xFFFFFFF0]  }
0x82: {  	v6 =	vld [tilespmem:s31+$0x0]  }
0x83: {  	v7 =	vld [tilespmem:s31+$0x10]  }
0x84: {  	v8 =	vld [tilespmem:s31+$0x20]  }
0x85: {  	v9 =	vld [tilespmem:s31+$0xFFFFFFC0]  }
0x86: {  	v10 =	vld.idx.msk [tilespmem:v0+s2+$0x0], $0xffff  }
0x87: {  	v11 =	vld.idx.msk [tilespmem:v1+s2+$0x0], $0xffff  }
0x88: {  	v5 =	vld.idx.msk [tilespmem:v2+s2+$0x0], $0xffff  }
0x89: {  	v4 =	vld.idx.msk [tilespmem:v3+s2+$0x0], $0xffff  }
0x8a: {  	v3 =	vld.idx.msk [tilespmem:v6+s2+$0x0], $0xffff  }
0x8b: {  	s22 =	simm.s32 $0x1A6E0;
	v1 =	vld.idx.msk [tilespmem:v7+s2+$0x0], $0xffff  }
0x8c: {  	v0 =	vld.idx.msk [tilespmem:v8+s2+$0x0], $0xffff;
	[tilespmem:s22+$0x30] =	vst v10  }
0x8d: {  	s23 =	simm.s32 $0x0;
	s24 =	simm.s32 $0x18760;
	v2 =	vld.idx.msk [tilespmem:v9+s2+$0x0], $0xffff;
	[tilespmem:s22+$0xFFFFFFD0] =	vst v11  }
.LBB2_9:
0x8e: {  	v6 =	vld [tilespmem:s24+$0x30];
	s23 =	sadd.s32 $0x80, s23;
	[tilespmem:s22+$0xFFFFFFE0] =	vst v5  }
0x8f: {  	v5 =	vld [tilespmem:s24+$0xFFFFFFD0];
	p0 =	slt.u32 s23, $0xF80;
	[tilespmem:s22+$0xFFFFFFF0] =	vst v4  }
0x90: {  	v4 =	vld [tilespmem:s24+$0xFFFFFFE0];
	[tilespmem:s22+$0x0] =	vst v3  }
0x91: {  	v3 =	vld [tilespmem:s24+$0xFFFFFFF0];
	[tilespmem:s22+$0x10] =	vst v1  }
0x92: {  	v1 =	vld [tilespmem:s24+$0x0];
	[tilespmem:s22+$0x20] =	vst v0  }
0x93: {  	v0 =	vld [tilespmem:s24+$0x10];
	[tilespmem:s22+$0xFFFFFFC0] =	vst v2  }
0x94: {  	v2 =	vld [tilespmem:s24+$0x20]  }
0x95: {  	v7 =	vld [tilespmem:s24+$0xFFFFFFC0]  }
0x96: {  	v6 =	vld.idx.msk [tilespmem:v6+s2+$0x0], $0xffff  }
0x97: {  	v8 =	vld.idx.msk [tilespmem:v5+s2+$0x0], $0xffff  }
0x98: {  	v5 =	vld.idx.msk [tilespmem:v4+s2+$0x0], $0xffff  }
.Ltmp3:
0x99: {  	v4 =	vld.idx.msk [tilespmem:v3+s2+$0x0], $0xffff;
	(pc) =	sbr.rel @p0 .LBB2_9-.Ltmp3, $4  }
0x9a: {  	v3 =	vld.idx.msk [tilespmem:v1+s2+$0x0], $0xffff  }
0x9b: {  	s22 =	sadd.s32 $0x80, s22;
	v1 =	vld.idx.msk [tilespmem:v0+s2+$0x0], $0xffff  }
0x9c: {  	v0 =	vld.idx.msk [tilespmem:v2+s2+$0x0], $0xffff;
	[tilespmem:s22+$0x30] =	vst v6  }
0x9d: {  	s24 =	sadd.s32 $0x80, s24;
	v2 =	vld.idx.msk [tilespmem:v7+s2+$0x0], $0xffff;
	[tilespmem:s22+$0xFFFFFFD0] =	vst v8  }
0x9e: {  	[tilespmem:s22+$0xFFFFFFE0] =	vst v5  }
0x9f: {  	[tilespmem:s22+$0xFFFFFFF0] =	vst v4  }
0xa0: {  	s23 =	sshll.u32 s20, $0x13;
	[tilespmem:s22+$0x0] =	vst v3  }
0xa1: {  	s23 =	sor.u32 s9, s23;
	[tilespmem:s22+$0x10] =	vst v1  }
0xa2: {  	s23 =	sshrl.u32 s23, $0x3;
	[tilespmem:s22+$0x20] =	vst v0  }
0xa3: {  	s30 =	sadd.s32 s4, s23;
	[tilespmem:s22+$0xFFFFFFC0] =	vst v2  }
0xa4: {  	[hbm4b:s30+s2] =	stream.linear.scatter [tilespmem:s15], [sflag:$0x2], $0x1000, $0x38;
	[tilespmem:$0x1C6A0] =	vst v63  }
0xa5: {  	p0 =	seq.s32 s20, $0x18;
	_ =	swait.ge [sflag:s13], $0x1000  }
0xa6: {  	s24 =	simm.s32 @!p0 $0x186A0;
	s22 =	sshll.u32 @!p0 s20, $0xA;
	[sflag:s13] =	ssyncset.done $0x0  }
0xa7: {  	s23 =	simm.s32 @!p0 $0x0;
	s22 =	sadd.s32 @!p0 s22, s7;
	[sflag:s13] =	ssyncadd.s32 $0xFFFFF000  }
0xa8: {  	[tilespmem:s24], [sflag:$0x1] =	stream.linear.gather @!p0 [hbm4b:s22+s23], $0x1000, $0x38;
	[tilespmem:$0x1C6A0] =	vst v63  }
0xa9: {  	_ =	swait.ge [sflag:s18], $0x1000  }
0xaa: {  	[sflag:s18] =	ssyncset.done $0x0  }
0xab: {  	s31 =	simm.s32 $0x19710;
	[sflag:s18] =	ssyncadd.s32 $0xFFFFF000  }
0xac: {  	v0 =	vld [tilespmem:s31+$0x0]  }
0xad: {  	v1 =	vld [tilespmem:s31+$0xFFFFFFA0]  }
0xae: {  	v2 =	vld [tilespmem:s31+$0xFFFFFFB0]  }
0xaf: {  	v3 =	vld [tilespmem:s31+$0xFFFFFFC0]  }
0xb0: {  	v6 =	vld [tilespmem:s31+$0xFFFFFFD0]  }
0xb1: {  	v7 =	vld [tilespmem:s31+$0xFFFFFFE0]  }
0xb2: {  	v8 =	vld [tilespmem:s31+$0xFFFFFFF0]  }
0xb3: {  	v9 =	vld [tilespmem:s31+$0xFFFFFF90]  }
0xb4: {  	v10 =	vld.idx.msk [tilespmem:v0+s2+$0x0], $0xffff  }
0xb5: {  	v11 =	vld.idx.msk [tilespmem:v1+s2+$0x0], $0xffff  }
0xb6: {  	v5 =	vld.idx.msk [tilespmem:v2+s2+$0x0], $0xffff  }
0xb7: {  	v4 =	vld.idx.msk [tilespmem:v3+s2+$0x0], $0xffff  }
0xb8: {  	v3 =	vld.idx.msk [tilespmem:v6+s2+$0x0], $0xffff  }
0xb9: {  	s22 =	simm.s32 $0x1B710;
	v1 =	vld.idx.msk [tilespmem:v7+s2+$0x0], $0xffff  }
0xba: {  	v0 =	vld.idx.msk [tilespmem:v8+s2+$0x0], $0xffff;
	[tilespmem:s22+$0x0] =	vst v10  }
0xbb: {  	s23 =	simm.s32 $0x0;
	s24 =	simm.s32 $0x19790;
	v2 =	vld.idx.msk [tilespmem:v9+s2+$0x0], $0xffff;
	[tilespmem:s22+$0xFFFFFFA0] =	vst v11  }
.LBB2_11:
0xbc: {  	v6 =	vld [tilespmem:s24+$0x0];
	s23 =	sadd.s32 $0x80, s23;
	[tilespmem:s22+$0xFFFFFFB0] =	vst v5  }
0xbd: {  	v5 =	vld [tilespmem:s24+$0xFFFFFFA0];
	p0 =	slt.u32 s23, $0xF80;
	[tilespmem:s22+$0xFFFFFFC0] =	vst v4  }
0xbe: {  	v4 =	vld [tilespmem:s24+$0xFFFFFFB0];
	[tilespmem:s22+$0xFFFFFFD0] =	vst v3  }
0xbf: {  	v3 =	vld [tilespmem:s24+$0xFFFFFFC0];
	[tilespmem:s22+$0xFFFFFFE0] =	vst v1  }
0xc0: {  	v1 =	vld [tilespmem:s24+$0xFFFFFFD0];
	[tilespmem:s22+$0xFFFFFFF0] =	vst v0  }
0xc1: {  	v0 =	vld [tilespmem:s24+$0xFFFFFFE0];
	[tilespmem:s22+$0xFFFFFF90] =	vst v2  }
0xc2: {  	v2 =	vld [tilespmem:s24+$0xFFFFFFF0]  }
0xc3: {  	v7 =	vld [tilespmem:s24+$0xFFFFFF90]  }
0xc4: {  	v6 =	vld.idx.msk [tilespmem:v6+s2+$0x0], $0xffff  }
0xc5: {  	v8 =	vld.idx.msk [tilespmem:v5+s2+$0x0], $0xffff  }
0xc6: {  	v5 =	vld.idx.msk [tilespmem:v4+s2+$0x0], $0xffff  }
.Ltmp4:
0xc7: {  	v4 =	vld.idx.msk [tilespmem:v3+s2+$0x0], $0xffff;
	(pc) =	sbr.rel @p0 .LBB2_11-.Ltmp4, $4  }
0xc8: {  	v3 =	vld.idx.msk [tilespmem:v1+s2+$0x0], $0xffff  }
0xc9: {  	s22 =	sadd.s32 $0x80, s22;
	v1 =	vld.idx.msk [tilespmem:v0+s2+$0x0], $0xffff  }
0xca: {  	v0 =	vld.idx.msk [tilespmem:v2+s2+$0x0], $0xffff;
	[tilespmem:s22+$0x0] =	vst v6  }
0xcb: {  	s24 =	sadd.s32 $0x80, s24;
	v2 =	vld.idx.msk [tilespmem:v7+s2+$0x0], $0xffff;
	[tilespmem:s22+$0xFFFFFFA0] =	vst v8  }
0xcc: {  	[tilespmem:s22+$0xFFFFFFB0] =	vst v5;
	s20 =	sadd.s32 $0x1, s20  }
0xcd: {  	[tilespmem:s22+$0xFFFFFFC0] =	vst v4;
	p0 =	sne.s32 s20, $0x19  }
.Ltmp5:
0xce: {  	s21 =	sshll.u32 s21, $0x12;
	[tilespmem:s22+$0xFFFFFFD0] =	vst v3;
	(pc) =	sbr.rel @p0 .LBB2_8-.Ltmp5, $4  }
0xcf: {  	s21 =	sor.u32 s9, s21;
	[tilespmem:s22+$0xFFFFFFE0] =	vst v1  }
0xd0: {  	s21 =	sshrl.u32 s21, $0x3;
	[tilespmem:s22+$0xFFFFFFF0] =	vst v0  }
0xd1: {  	s21 =	sadd.s32 s4, s21;
	[tilespmem:s22+$0xFFFFFF90] =	vst v2  }
0xd2: {  	[hbm4b:s21+s2] =	stream.linear.scatter [tilespmem:s16], [sflag:$0x3], $0x1000, $0x38;
	[tilespmem:$0x1C6A0] =	vst v63  }
0xd3: {  	s19 =	sadd.s32 $0x1, s19  }
0xd4: {  	_ =	swait.ge [sflag:s17], $0x1000;
	p0 =	sne.s32 s19, s10  }
.Ltmp6:
0xd5: {  	[sflag:s17] =	ssyncset.done $0x0;
	(pc) =	sbr.rel @p0 .LBB2_1-.Ltmp6, $4  }
0xd6: {  	[sflag:s17] =	ssyncadd.s32 $0xFFFFF000  }
0xd7: {  	_ =	swait.ge [sflag:s18], $0x1000  }
0xd8: {  	[sflag:s18] =	ssyncset.done $0x0  }
0xd9: {  	[sflag:s18] =	ssyncadd.s32 $0xFFFFF000  }
0xda: {  	_ =	sfence.sel $0x180000  }
0xdb: {  	[bflag:$0x0] =	sbarrier.arrive $0xFFFF  }
0xdc: {  	p0 =	sne.s32 s1, $0x0;
	_ =	strace $0x90000047  }
0xdd: {  	s0 =	sadd.s32 @!p0 $0x100000, s0;
	[bflag:$0x2] =	sbarrier.arrive $0xFFFF  }
0xde: {  	[sflag:s0] =	ssyncadd.tile.s32 @!p0 $0x1;
	_ =	shalt  }
.Lfunc_end2:
_tile_overlayer_lowered:
.L_overlay_start_2:
0xdf: {  	(tag) =	ssettag $0x2  }
0xe0: {  	s0 =	rddreg [dreg:$0x0];
	s2 =	stileid.u32  }
0xe1: {  	s1 =	rddreg [dreg:$0x1];
	p0 =	sne.s32 s2, $0x0  }
0xe2: {  	s3 =	rddreg [dreg:$0x2];
	[bflag:$0x3] =	sbarrier.arrive $0xFFFF;
	s2 =	simm.s32 @!p0 $0x1C04  }
0xe3: {  	[timem:s3], [sflag:s2] =	dma.local @!p0 [hbm:s0], s1  }
0xe4: {  	s0 =	simm.s32 @!p0 $0x4  }
0xe5: {  	_ =	swait.ge @!p0 [sflag:s0], s1  }
0xe6: {  	s1 =	ssub.s32 @!p0 $0x0, s1;
	[sflag:s0] =	ssyncset.done @!p0 $0x0  }
0xe7: {  	[sflag:s0] =	ssyncadd.s32 @!p0 s1  }
0xe8: {  	[bflag:$0x3] =	sbarrier.arrive $0xFFFF  }
0xe9: {  	_ =	shalt  }

</sc_bundles>
